<compile_context>
chip_gen: v7x
topology: tpu7x:2x2x1
jax: 0.10.2.dev20260603
libtpu: 0.0.44.dev20260713+nightly
codegen_flags: <defaults>
</compile_context>

<pallas_src>
import functools

import jax
import jax.numpy as jnp
from jax import lax
from jax.experimental import pallas as pl
from jax.experimental.pallas import tpu as pltpu
from jax.experimental.pallas import tpu_sc as plsc

_VOCAB = 256
_EMB = 32
_B = 4096
_L = 200
_N = _B * _L
_NC = 2
_NS = 16
_NW = _NC * _NS
_N_PER_W = _N // _NW
_CHUNK = 1600
_N_CHUNKS = _N_PER_W // _CHUNK
_GROUPS = _CHUNK // 16

_mesh = plsc.VectorSubcoreMesh(core_axis_name="c", subcore_axis_name="s")


@functools.partial(
    pl.kernel,
    out_type=jax.ShapeDtypeStruct((_N * _EMB,), jnp.float32),
    mesh=_mesh,
    scratch_types=[
        pltpu.VMEM((_VOCAB * _EMB,), jnp.float32),
        pltpu.VMEM((2, _CHUNK), jnp.int32),
        pltpu.VMEM((2, _CHUNK * _EMB), jnp.float32),
        pltpu.SemaphoreType.DMA((2,)),
        pltpu.SemaphoreType.DMA((2,)),
    ],
    compiler_params=pltpu.CompilerParams(use_tc_tiling_on_sc=False,
                                         needs_layout_passes=False),
)
def _gather_kernel(ids_hbm, table_hbm, out_hbm, table_v, idx_v, rows_v,
                   sem_idx, sem_w):
    wid = lax.axis_index("s") * _NC + lax.axis_index("c")
    base = wid * _N_PER_W

    pltpu.sync_copy(table_hbm, table_v)

    for s in range(2):
        pltpu.async_copy(ids_hbm.at[pl.ds(base + s * _CHUNK, _CHUNK)],
                         idx_v.at[s], sem_idx.at[s])

    @pl.loop(0, _N_CHUNKS, step=2)
    def _steady(i):
        for s in range(2):
            c = i + s
            off = base + c * _CHUNK
            pltpu.make_async_copy(ids_hbm.at[pl.ds(off, _CHUNK)],
                                  idx_v.at[s], sem_idx.at[s]).wait()

            @pl.when(c >= 2)
            def _():
                pltpu.make_async_copy(
                    rows_v.at[s],
                    out_hbm.at[pl.ds((off - 2 * _CHUNK) * _EMB,
                                     _CHUNK * _EMB)],
                    sem_w.at[s]).wait()

            idx_ref = idx_v.at[s]
            rows_ref = rows_v.at[s]

            @plsc.parallel_loop(0, _GROUPS)
            def _group(g):
                gb = g * 16
                pb = g * (16 * _EMB)
                idvec = idx_ref[pl.ds(gb, 16)] * _EMB
                vals = []
                for j in range(16):
                    a = idvec[j]
                    vals.append(table_v[pl.ds(a, 16)])
                    vals.append(table_v[pl.ds(a + 16, 16)])
                for k in range(32):
                    rows_ref[pl.ds(pb + k * 16, 16)] = vals[k]

            pltpu.async_copy(rows_v.at[s],
                             out_hbm.at[pl.ds(off * _EMB, _CHUNK * _EMB)],
                             sem_w.at[s])

            @pl.when(c + 2 < _N_CHUNKS)
            def _():
                pltpu.async_copy(
                    ids_hbm.at[pl.ds(off + 2 * _CHUNK, _CHUNK)],
                    idx_v.at[s], sem_idx.at[s])

    for s in range(2):
        off = base + (_N_CHUNKS - 2 + s) * _CHUNK
        pltpu.make_async_copy(rows_v.at[s],
                              out_hbm.at[pl.ds(off * _EMB, _CHUNK * _EMB)],
                              sem_w.at[s]).wait()


def kernel(char_ids, char_embs):
    ids_flat = char_ids.reshape(_N)
    out = _gather_kernel(ids_flat, char_embs.reshape(_VOCAB * _EMB))
    return out.reshape(_B, _L, _EMB)

# --- scband reference (transcript-rebuilt; emitter-appended) ---
"""Pipeline reference for scband-tdt-vectorizer-75050258530391 (READ-ONLY COPY).

The authoritative reference and input builder live on the scoring server;
editing this copy changes nothing except your own understanding.
"""

import jax, jax.numpy as jnp
import numpy as np

VOCAB = 256
EMB = 32
B = 4096
L = 200

def setup_inputs(seed: int = 0) -> dict:
    key = jax.random.key(seed)
    k1, k2 = jax.random.split(key)
    char_ids = jax.random.randint(k1, (B, L), 0, VOCAB, dtype=jnp.int32)
    # learned parameter: character embedding table (nn.Embedding(len(char_vocab), emb_size))
    char_embs = jax.random.normal(k2, (VOCAB, EMB), dtype=jnp.float32)
    return {"char_ids": char_ids, "char_embs": char_embs}

def reference(char_ids, char_embs):
    # Faithful translation of the base TdtVectorizer forward path:
    # character-id sequence -> embedding lookup (gather) into char embedding space.
    out = jnp.take(char_embs, char_ids, axis=0)  # [B, L, EMB]
    return out

if __name__ == "__main__":
    import jax
    _d = setup_inputs()
    print(jax.jit(kernel)(*tuple(_d.values())))

</pallas_src>

<mosaic_0001>
#map = affine_map<(d0, d1) -> (0)>
module attributes {stable_mosaic.version = 14 : i64} {
  func.func @_gather_kernel(%arg0: i32, %arg1: i32, %arg2: memref<819200xi32, #tpu.memory_space<hbm>>, %arg3: memref<8192xf32, #tpu.memory_space<hbm>>, %arg4: memref<26214400xf32, #tpu.memory_space<hbm>>, %arg5: memref<8192xf32, #tpu.memory_space<vmem>>, %arg6: memref<2x1600xi32, #tpu.memory_space<vmem>>, %arg7: memref<2x51200xf32, #tpu.memory_space<vmem>>, %arg8: memref<2x!tpu.dma_semaphore, #tpu.memory_space<semaphore_mem>>, %arg9: memref<2x!tpu.dma_semaphore, #tpu.memory_space<semaphore_mem>>) attributes {dimension_semantics = [#tpu.dimension_semantics<core_parallel>, #tpu.dimension_semantics<subcore_parallel>], iteration_bounds = array<i64: 2, 16>, scalar_prefetch = 0 : i64, scratch_operands = 5 : i64, tpu.core_type = #tpu.core_type<sc_vector_subcore>, window_params = [{transform_indices = #map}, {transform_indices = #map}, {transform_indices = #map}]} {
    %mul3A = arith.constant 2 : i32
    %mul3A_0 = arith.muli %arg1, %mul3A : i32
    %add3A = arith.addi %mul3A_0, %arg0 : i32
    %mul3A_1 = arith.constant 25600 : i32
    %mul3A_2 = arith.muli %add3A, %mul3A_1 : i32
    "tpu.region"() ({
      %run_scoped3A = tpu.sem_alloc : memref<!tpu.dma_semaphore, #tpu.memory_space<semaphore_mem>>
      tpu.enqueue_dma source(%arg3 : memref<8192xf32, #tpu.memory_space<hbm>>) target(%arg5 : memref<8192xf32, #tpu.memory_space<vmem>>) target_semaphore(%run_scoped3A : memref<!tpu.dma_semaphore, #tpu.memory_space<semaphore_mem>>)
      tpu.wait_dma2 semaphore(%run_scoped3A : memref<!tpu.dma_semaphore, #tpu.memory_space<semaphore_mem>>) src(%arg3 : memref<8192xf32, #tpu.memory_space<hbm>>) dst(%arg5 : memref<8192xf32, #tpu.memory_space<vmem>>)
      tpu.yield
    }) : () -> ()
    %add3A_3 = arith.constant 0 : i32
    %add3A_4 = arith.addi %mul3A_2, %add3A_3 : i32
    %dma_start3A = arith.constant 0 : i32
    %dma_start3A_5 = arith.constant 0 : i32
    %dma_start3A_6 = arith.constant 0 : i32
    %dma_start3A_7 = tpu.memref_slice %arg6[%dma_start3A, %dma_start3A_6] : memref<2x1600xi32, #tpu.memory_space<vmem>> -> memref<1x1600xi32, #tpu.memory_space<vmem>>
    %dma_start3A_8 = tpu.memref_squeeze %dma_start3A_7 : memref<1x1600xi32, #tpu.memory_space<vmem>> -> memref<1600xi32, #tpu.memory_space<vmem>>
    %dma_start3A_9 = tpu.memref_slice %arg2[%add3A_4] : memref<819200xi32, #tpu.memory_space<hbm>> -> memref<1600xi32, #tpu.memory_space<hbm>>
    %dma_start3A_10 = tpu.memref_slice %arg8[%dma_start3A_5] : memref<2x!tpu.dma_semaphore, #tpu.memory_space<semaphore_mem>> -> memref<1x!tpu.dma_semaphore, #tpu.memory_space<semaphore_mem>>
    %dma_start3A_11 = tpu.memref_squeeze %dma_start3A_10 : memref<1x!tpu.dma_semaphore, #tpu.memory_space<semaphore_mem>> -> memref<!tpu.dma_semaphore, #tpu.memory_space<semaphore_mem>>
    %dma_start3A_12 = arith.constant 0 : i32
    %dma_start3A_13 = tpu.memref_slice %arg6[%dma_start3A, %dma_start3A_12] : memref<2x1600xi32, #tpu.memory_space<vmem>> -> memref<1x1600xi32, #tpu.memory_space<vmem>>
    %dma_start3A_14 = tpu.memref_squeeze %dma_start3A_13 : memref<1x1600xi32, #tpu.memory_space<vmem>> -> memref<1600xi32, #tpu.memory_space<vmem>>
    %dma_start3A_15 = tpu.memref_slice %arg2[%add3A_4] : memref<819200xi32, #tpu.memory_space<hbm>> -> memref<1600xi32, #tpu.memory_space<hbm>>
    tpu.enqueue_dma source(%dma_start3A_15 : memref<1600xi32, #tpu.memory_space<hbm>>) target(%dma_start3A_14 : memref<1600xi32, #tpu.memory_space<vmem>>) target_semaphore(%dma_start3A_11 : memref<!tpu.dma_semaphore, #tpu.memory_space<semaphore_mem>>)
    %add3A_16 = arith.constant 1600 : i32
    %add3A_17 = arith.addi %mul3A_2, %add3A_16 : i32
    %dma_start3A_18 = arith.constant 1 : i32
    %dma_start3A_19 = arith.constant 1 : i32
    %dma_start3A_20 = arith.constant 0 : i32
    %dma_start3A_21 = tpu.memref_slice %arg6[%dma_start3A_18, %dma_start3A_20] : memref<2x1600xi32, #tpu.memory_space<vmem>> -> memref<1x1600xi32, #tpu.memory_space<vmem>>
    %dma_start3A_22 = tpu.memref_squeeze %dma_start3A_21 : memref<1x1600xi32, #tpu.memory_space<vmem>> -> memref<1600xi32, #tpu.memory_space<vmem>>
    %dma_start3A_23 = tpu.memref_slice %arg2[%add3A_17] : memref<819200xi32, #tpu.memory_space<hbm>> -> memref<1600xi32, #tpu.memory_space<hbm>>
    %dma_start3A_24 = tpu.memref_slice %arg8[%dma_start3A_19] : memref<2x!tpu.dma_semaphore, #tpu.memory_space<semaphore_mem>> -> memref<1x!tpu.dma_semaphore, #tpu.memory_space<semaphore_mem>>
    %dma_start3A_25 = tpu.memref_squeeze %dma_start3A_24 : memref<1x!tpu.dma_semaphore, #tpu.memory_space<semaphore_mem>> -> memref<!tpu.dma_semaphore, #tpu.memory_space<semaphore_mem>>
    %dma_start3A_26 = arith.constant 0 : i32
    %dma_start3A_27 = tpu.memref_slice %arg6[%dma_start3A_18, %dma_start3A_26] : memref<2x1600xi32, #tpu.memory_space<vmem>> -> memref<1x1600xi32, #tpu.memory_space<vmem>>
    %dma_start3A_28 = tpu.memref_squeeze %dma_start3A_27 : memref<1x1600xi32, #tpu.memory_space<vmem>> -> memref<1600xi32, #tpu.memory_space<vmem>>
    %dma_start3A_29 = tpu.memref_slice %arg2[%add3A_17] : memref<819200xi32, #tpu.memory_space<hbm>> -> memref<1600xi32, #tpu.memory_space<hbm>>
    tpu.enqueue_dma source(%dma_start3A_29 : memref<1600xi32, #tpu.memory_space<hbm>>) target(%dma_start3A_28 : memref<1600xi32, #tpu.memory_space<vmem>>) target_semaphore(%dma_start3A_25 : memref<!tpu.dma_semaphore, #tpu.memory_space<semaphore_mem>>)
    %scan3A = arith.constant 0 : i32
    %scan3A_30 = arith.constant 8 : i32
    %scan3A_31 = arith.addi %scan3A, %scan3A_30 : i32
    %scan3A_32 = arith.constant 1 : i32
    scf.for %scan3A_65 = %scan3A to %scan3A_31 step %scan3A_32  : i32 {
      %mul3A_66 = arith.constant 2 : i32
      %mul3A_67 = arith.muli %scan3A_65, %mul3A_66 : i32
      %add3A_68 = arith.constant 0 : i32
      %add3A_69 = arith.addi %add3A_68, %mul3A_67 : i32
      %add3A_70 = arith.constant 0 : i32
      %add3A_71 = arith.addi %add3A_69, %add3A_70 : i32
      %mul3A_72 = arith.constant 1600 : i32
      %mul3A_73 = arith.muli %add3A_71, %mul3A_72 : i32
      %add3A_74 = arith.addi %mul3A_2, %mul3A_73 : i32
      %dma_wait3A_75 = arith.constant 0 : i32
      %dma_wait3A_76 = arith.constant 0 : i32
      %dma_wait3A_77 = arith.constant 0 : i32
      %dma_wait3A_78 = tpu.memref_slice %arg6[%dma_wait3A_75, %dma_wait3A_77] : memref<2x1600xi32, #tpu.memory_space<vmem>> -> memref<1x1600xi32, #tpu.memory_space<vmem>>
      %dma_wait3A_79 = tpu.memref_squeeze %dma_wait3A_78 : memref<1x1600xi32, #tpu.memory_space<vmem>> -> memref<1600xi32, #tpu.memory_space<vmem>>
      %dma_wait3A_80 = tpu.memref_slice %arg2[%add3A_74] : memref<819200xi32, #tpu.memory_space<hbm>> -> memref<1600xi32, #tpu.memory_space<hbm>>
      %dma_wait3A_81 = tpu.memref_slice %arg8[%dma_wait3A_76] : memref<2x!tpu.dma_semaphore, #tpu.memory_space<semaphore_mem>> -> memref<1x!tpu.dma_semaphore, #tpu.memory_space<semaphore_mem>>
      %dma_wait3A_82 = tpu.memref_squeeze %dma_wait3A_81 : memref<1x!tpu.dma_semaphore, #tpu.memory_space<semaphore_mem>> -> memref<!tpu.dma_semaphore, #tpu.memory_space<semaphore_mem>>
      %dma_wait3A_83 = arith.constant 0 : i32
      %dma_wait3A_84 = tpu.memref_slice %arg6[%dma_wait3A_75, %dma_wait3A_83] : memref<2x1600xi32, #tpu.memory_space<vmem>> -> memref<1x1600xi32, #tpu.memory_space<vmem>>
      %dma_wait3A_85 = tpu.memref_squeeze %dma_wait3A_84 : memref<1x1600xi32, #tpu.memory_space<vmem>> -> memref<1600xi32, #tpu.memory_space<vmem>>
      %dma_wait3A_86 = tpu.memref_slice %arg2[%add3A_74] : memref<819200xi32, #tpu.memory_space<hbm>> -> memref<1600xi32, #tpu.memory_space<hbm>>
      tpu.wait_dma2 semaphore(%dma_wait3A_82 : memref<!tpu.dma_semaphore, #tpu.memory_space<semaphore_mem>>) src(%dma_wait3A_86 : memref<1600xi32, #tpu.memory_space<hbm>>) dst(%dma_wait3A_85 : memref<1600xi32, #tpu.memory_space<vmem>>)
      %ge3A = arith.constant 2 : i32
      %ge3A_87 = arith.cmpi sge, %add3A_71, %ge3A : i32
      %convert_element_type3A = arith.extui %ge3A_87 : i1 to i32
      %cond3A = arith.constant 0 : i32
      %cond3A_88 = arith.cmpi ne, %convert_element_type3A, %cond3A : i32
      scf.if %cond3A_88 {
        %sub3A = arith.constant 3200 : i32
        %sub3A_161 = arith.subi %add3A_74, %sub3A : i32
        %mul3A_162 = arith.constant 32 : i32
        %mul3A_163 = arith.muli %sub3A_161, %mul3A_162 : i32
        %dma_wait3A_164 = arith.constant 0 : i32
        %dma_wait3A_165 = arith.constant 0 : i32
        %dma_wait3A_166 = arith.constant 0 : i32
        %dma_wait3A_167 = tpu.memref_slice %arg7[%dma_wait3A_164, %dma_wait3A_166] : memref<2x51200xf32, #tpu.memory_space<vmem>> -> memref<1x51200xf32, #tpu.memory_space<vmem>>
        %dma_wait3A_168 = tpu.memref_squeeze %dma_wait3A_167 : memref<1x51200xf32, #tpu.memory_space<vmem>> -> memref<51200xf32, #tpu.memory_space<vmem>>
        %dma_wait3A_169 = tpu.memref_slice %arg4[%mul3A_163] : memref<26214400xf32, #tpu.memory_space<hbm>> -> memref<51200xf32, #tpu.memory_space<hbm>>
        %dma_wait3A_170 = tpu.memref_slice %arg9[%dma_wait3A_165] : memref<2x!tpu.dma_semaphore, #tpu.memory_space<semaphore_mem>> -> memref<1x!tpu.dma_semaphore, #tpu.memory_space<semaphore_mem>>
        %dma_wait3A_171 = tpu.memref_squeeze %dma_wait3A_170 : memref<1x!tpu.dma_semaphore, #tpu.memory_space<semaphore_mem>> -> memref<!tpu.dma_semaphore, #tpu.memory_space<semaphore_mem>>
        %dma_wait3A_172 = tpu.memref_slice %arg4[%mul3A_163] : memref<26214400xf32, #tpu.memory_space<hbm>> -> memref<51200xf32, #tpu.memory_space<hbm>>
        %dma_wait3A_173 = arith.constant 0 : i32
        %dma_wait3A_174 = tpu.memref_slice %arg7[%dma_wait3A_164, %dma_wait3A_173] : memref<2x51200xf32, #tpu.memory_space<vmem>> -> memref<1x51200xf32, #tpu.memory_space<vmem>>
        %dma_wait3A_175 = tpu.memref_squeeze %dma_wait3A_174 : memref<1x51200xf32, #tpu.memory_space<vmem>> -> memref<51200xf32, #tpu.memory_space<vmem>>
        tpu.wait_dma2 semaphore(%dma_wait3A_171 : memref<!tpu.dma_semaphore, #tpu.memory_space<semaphore_mem>>) src(%dma_wait3A_175 : memref<51200xf32, #tpu.memory_space<vmem>>) dst(%dma_wait3A_172 : memref<51200xf32, #tpu.memory_space<hbm>>)
      } else {
      }
      %parallel_loop3A = arith.constant 0 : i32
      %parallel_loop3A_89 = arith.constant 100 : i32
      %parallel_loop3A_90 = arith.constant 1 : i32
      %parallel_loop3A_91 = arith.constant 0 : i32
      %parallel_loop3A_92 = arith.constant 0 : i32
      scf.for %parallel_loop3A_161 = %parallel_loop3A to %parallel_loop3A_89 step %parallel_loop3A_90  : i32 {
        %parallel_loop3A_162 = arith.constant 16 : i32
        %parallel_loop3A_163 = arith.muli %parallel_loop3A_161, %parallel_loop3A_162 : i32
        %parallel_loop3A_164 = arith.constant 512 : i32
        %parallel_loop3A_165 = arith.muli %parallel_loop3A_161, %parallel_loop3A_164 : i32
        %parallel_loop3A_166 = arith.constant 0 : i32
        %parallel_loop3A_167 = tpu.memref_slice %arg6[%parallel_loop3A_91, %parallel_loop3A_166] : memref<2x1600xi32, #tpu.memory_space<vmem>> -> memref<1x1600xi32, #tpu.memory_space<vmem>>
        %parallel_loop3A_168 = tpu.memref_squeeze %parallel_loop3A_167 : memref<1x1600xi32, #tpu.memory_space<vmem>> -> memref<1600xi32, #tpu.memory_space<vmem>>
        %parallel_loop3A_169 = arith.index_cast %parallel_loop3A_163 : i32 to index
        %parallel_loop3A_170 = tpu.vector_load %parallel_loop3A_168[%parallel_loop3A_169] {strides = array<i32>} : memref<1600xi32, #tpu.memory_space<vmem>>, vector<16xi32>,
        %parallel_loop3A_171 = arith.constant 32 : i32
        %parallel_loop3A_172 = vector.broadcast %parallel_loop3A_171 : i32 to vector<16xi32>
        %parallel_loop3A_173 = arith.muli %parallel_loop3A_170, %parallel_loop3A_172 : vector<16xi32>
        %parallel_loop3A_174 = vector.extract_strided_slice %parallel_loop3A_173 {offsets = [0], sizes = [1], strides = [1]} : vector<16xi32> to vector<1xi32>
        %parallel_loop3A_175 = vector.extract %parallel_loop3A_174[0] : i32 from vector<1xi32>
        %parallel_loop3A_176 = arith.index_cast %parallel_loop3A_175 : i32 to index
        %parallel_loop3A_177 = tpu.vector_load %arg5[%parallel_loop3A_176] {strides = array<i32>} : memref<8192xf32, #tpu.memory_space<vmem>>, vector<16xf32>,
        %parallel_loop3A_178 = arith.constant 16 : i32
        %parallel_loop3A_179 = arith.addi %parallel_loop3A_175, %parallel_loop3A_178 : i32
        %parallel_loop3A_180 = arith.index_cast %parallel_loop3A_179 : i32 to index
        %parallel_loop3A_181 = tpu.vector_load %arg5[%parallel_loop3A_180] {strides = array<i32>} : memref<8192xf32, #tpu.memory_space<vmem>>, vector<16xf32>,
        %parallel_loop3A_182 = vector.extract_strided_slice %parallel_loop3A_173 {offsets = [1], sizes = [1], strides = [1]} : vector<16xi32> to vector<1xi32>
        %parallel_loop3A_183 = vector.extract %parallel_loop3A_182[0] : i32 from vector<1xi32>
        %parallel_loop3A_184 = arith.index_cast %parallel_loop3A_183 : i32 to index
        %parallel_loop3A_185 = tpu.vector_load %arg5[%parallel_loop3A_184] {strides = array<i32>} : memref<8192xf32, #tpu.memory_space<vmem>>, vector<16xf32>,
        %parallel_loop3A_186 = arith.constant 16 : i32
        %parallel_loop3A_187 = arith.addi %parallel_loop3A_183, %parallel_loop3A_186 : i32
        %parallel_loop3A_188 = arith.index_cast %parallel_loop3A_187 : i32 to index
        %parallel_loop3A_189 = tpu.vector_load %arg5[%parallel_loop3A_188] {strides = array<i32>} : memref<8192xf32, #tpu.memory_space<vmem>>, vector<16xf32>,
        %parallel_loop3A_190 = vector.extract_strided_slice %parallel_loop3A_173 {offsets = [2], sizes = [1], strides = [1]} : vector<16xi32> to vector<1xi32>
        %parallel_loop3A_191 = vector.extract %parallel_loop3A_190[0] : i32 from vector<1xi32>
        %parallel_loop3A_192 = arith.index_cast %parallel_loop3A_191 : i32 to index
        %parallel_loop3A_193 = tpu.vector_load %arg5[%parallel_loop3A_192] {strides = array<i32>} : memref<8192xf32, #tpu.memory_space<vmem>>, vector<16xf32>,
        %parallel_loop3A_194 = arith.constant 16 : i32
        %parallel_loop3A_195 = arith.addi %parallel_loop3A_191, %parallel_loop3A_194 : i32
        %parallel_loop3A_196 = arith.index_cast %parallel_loop3A_195 : i32 to index
        %parallel_loop3A_197 = tpu.vector_load %arg5[%parallel_loop3A_196] {strides = array<i32>} : memref<8192xf32, #tpu.memory_space<vmem>>, vector<16xf32>,
        %parallel_loop3A_198 = vector.extract_strided_slice %parallel_loop3A_173 {offsets = [3], sizes = [1], strides = [1]} : vector<16xi32> to vector<1xi32>
        %parallel_loop3A_199 = vector.extract %parallel_loop3A_198[0] : i32 from vector<1xi32>
        %parallel_loop3A_200 = arith.index_cast %parallel_loop3A_199 : i32 to index
        %parallel_loop3A_201 = tpu.vector_load %arg5[%parallel_loop3A_200] {strides = array<i32>} : memref<8192xf32, #tpu.memory_space<vmem>>, vector<16xf32>,
        %parallel_loop3A_202 = arith.constant 16 : i32
        %parallel_loop3A_203 = arith.addi %parallel_loop3A_199, %parallel_loop3A_202 : i32
        %parallel_loop3A_204 = arith.index_cast %parallel_loop3A_203 : i32 to index
        %parallel_loop3A_205 = tpu.vector_load %arg5[%parallel_loop3A_204] {strides = array<i32>} : memref<8192xf32, #tpu.memory_space<vmem>>, vector<16xf32>,
        %parallel_loop3A_206 = vector.extract_strided_slice %parallel_loop3A_173 {offsets = [4], sizes = [1], strides = [1]} : vector<16xi32> to vector<1xi32>
        %parallel_loop3A_207 = vector.extract %parallel_loop3A_206[0] : i32 from vector<1xi32>
        %parallel_loop3A_208 = arith.index_cast %parallel_loop3A_207 : i32 to index
        %parallel_loop3A_209 = tpu.vector_load %arg5[%parallel_loop3A_208] {strides = array<i32>} : memref<8192xf32, #tpu.memory_space<vmem>>, vector<16xf32>,
        %parallel_loop3A_210 = arith.constant 16 : i32
        %parallel_loop3A_211 = arith.addi %parallel_loop3A_207, %parallel_loop3A_210 : i32
        %parallel_loop3A_212 = arith.index_cast %parallel_loop3A_211 : i32 to index
        %parallel_loop3A_213 = tpu.vector_load %arg5[%parallel_loop3A_212] {strides = array<i32>} : memref<8192xf32, #tpu.memory_space<vmem>>, vector<16xf32>,
        %parallel_loop3A_214 = vector.extract_strided_slice %parallel_loop3A_173 {offsets = [5], sizes = [1], strides = [1]} : vector<16xi32> to vector<1xi32>
        %parallel_loop3A_215 = vector.extract %parallel_loop3A_214[0] : i32 from vector<1xi32>
        %parallel_loop3A_216 = arith.index_cast %parallel_loop3A_215 : i32 to index
        %parallel_loop3A_217 = tpu.vector_load %arg5[%parallel_loop3A_216] {strides = array<i32>} : memref<8192xf32, #tpu.memory_space<vmem>>, vector<16xf32>,
        %parallel_loop3A_218 = arith.constant 16 : i32
        %parallel_loop3A_219 = arith.addi %parallel_loop3A_215, %parallel_loop3A_218 : i32
        %parallel_loop3A_220 = arith.index_cast %parallel_loop3A_219 : i32 to index
        %parallel_loop3A_221 = tpu.vector_load %arg5[%parallel_loop3A_220] {strides = array<i32>} : memref<8192xf32, #tpu.memory_space<vmem>>, vector<16xf32>,
        %parallel_loop3A_222 = vector.extract_strided_slice %parallel_loop3A_173 {offsets = [6], sizes = [1], strides = [1]} : vector<16xi32> to vector<1xi32>
        %parallel_loop3A_223 = vector.extract %parallel_loop3A_222[0] : i32 from vector<1xi32>
        %parallel_loop3A_224 = arith.index_cast %parallel_loop3A_223 : i32 to index
        %parallel_loop3A_225 = tpu.vector_load %arg5[%parallel_loop3A_224] {strides = array<i32>} : memref<8192xf32, #tpu.memory_space<vmem>>, vector<16xf32>,
        %parallel_loop3A_226 = arith.constant 16 : i32
        %parallel_loop3A_227 = arith.addi %parallel_loop3A_223, %parallel_loop3A_226 : i32
        %parallel_loop3A_228 = arith.index_cast %parallel_loop3A_227 : i32 to index
        %parallel_loop3A_229 = tpu.vector_load %arg5[%parallel_loop3A_228] {strides = array<i32>} : memref<8192xf32, #tpu.memory_space<vmem>>, vector<16xf32>,
        %parallel_loop3A_230 = vector.extract_strided_slice %parallel_loop3A_173 {offsets = [7], sizes = [1], strides = [1]} : vector<16xi32> to vector<1xi32>
        %parallel_loop3A_231 = vector.extract %parallel_loop3A_230[0] : i32 from vector<1xi32>
        %parallel_loop3A_232 = arith.index_cast %parallel_loop3A_231 : i32 to index
        %parallel_loop3A_233 = tpu.vector_load %arg5[%parallel_loop3A_232] {strides = array<i32>} : memref<8192xf32, #tpu.memory_space<vmem>>, vector<16xf32>,
        %parallel_loop3A_234 = arith.constant 16 : i32
        %parallel_loop3A_235 = arith.addi %parallel_loop3A_231, %parallel_loop3A_234 : i32
        %parallel_loop3A_236 = arith.index_cast %parallel_loop3A_235 : i32 to index
        %parallel_loop3A_237 = tpu.vector_load %arg5[%parallel_loop3A_236] {strides = array<i32>} : memref<8192xf32, #tpu.memory_space<vmem>>, vector<16xf32>,
        %parallel_loop3A_238 = vector.extract_strided_slice %parallel_loop3A_173 {offsets = [8], sizes = [1], strides = [1]} : vector<16xi32> to vector<1xi32>
        %parallel_loop3A_239 = vector.extract %parallel_loop3A_238[0] : i32 from vector<1xi32>
        %parallel_loop3A_240 = arith.index_cast %parallel_loop3A_239 : i32 to index
        %parallel_loop3A_241 = tpu.vector_load %arg5[%parallel_loop3A_240] {strides = array<i32>} : memref<8192xf32, #tpu.memory_space<vmem>>, vector<16xf32>,
        %parallel_loop3A_242 = arith.constant 16 : i32
        %parallel_loop3A_243 = arith.addi %parallel_loop3A_239, %parallel_loop3A_242 : i32
        %parallel_loop3A_244 = arith.index_cast %parallel_loop3A_243 : i32 to index
        %parallel_loop3A_245 = tpu.vector_load %arg5[%parallel_loop3A_244] {strides = array<i32>} : memref<8192xf32, #tpu.memory_space<vmem>>, vector<16xf32>,
        %parallel_loop3A_246 = vector.extract_strided_slice %parallel_loop3A_173 {offsets = [9], sizes = [1], strides = [1]} : vector<16xi32> to vector<1xi32>
        %parallel_loop3A_247 = vector.extract %parallel_loop3A_246[0] : i32 from vector<1xi32>
        %parallel_loop3A_248 = arith.index_cast %parallel_loop3A_247 : i32 to index
        %parallel_loop3A_249 = tpu.vector_load %arg5[%parallel_loop3A_248] {strides = array<i32>} : memref<8192xf32, #tpu.memory_space<vmem>>, vector<16xf32>,
        %parallel_loop3A_250 = arith.constant 16 : i32
        %parallel_loop3A_251 = arith.addi %parallel_loop3A_247, %parallel_loop3A_250 : i32
        %parallel_loop3A_252 = arith.index_cast %parallel_loop3A_251 : i32 to index
        %parallel_loop3A_253 = tpu.vector_load %arg5[%parallel_loop3A_252] {strides = array<i32>} : memref<8192xf32, #tpu.memory_space<vmem>>, vector<16xf32>,
        %parallel_loop3A_254 = vector.extract_strided_slice %parallel_loop3A_173 {offsets = [10], sizes = [1], strides = [1]} : vector<16xi32> to vector<1xi32>
        %parallel_loop3A_255 = vector.extract %parallel_loop3A_254[0] : i32 from vector<1xi32>
        %parallel_loop3A_256 = arith.index_cast %parallel_loop3A_255 : i32 to index
        %parallel_loop3A_257 = tpu.vector_load %arg5[%parallel_loop3A_256] {strides = array<i32>} : memref<8192xf32, #tpu.memory_space<vmem>>, vector<16xf32>,
        %parallel_loop3A_258 = arith.constant 16 : i32
        %parallel_loop3A_259 = arith.addi %parallel_loop3A_255, %parallel_loop3A_258 : i32
        %parallel_loop3A_260 = arith.index_cast %parallel_loop3A_259 : i32 to index
        %parallel_loop3A_261 = tpu.vector_load %arg5[%parallel_loop3A_260] {strides = array<i32>} : memref<8192xf32, #tpu.memory_space<vmem>>, vector<16xf32>,
        %parallel_loop3A_262 = vector.extract_strided_slice %parallel_loop3A_173 {offsets = [11], sizes = [1], strides = [1]} : vector<16xi32> to vector<1xi32>
        %parallel_loop3A_263 = vector.extract %parallel_loop3A_262[0] : i32 from vector<1xi32>
        %parallel_loop3A_264 = arith.index_cast %parallel_loop3A_263 : i32 to index
        %parallel_loop3A_265 = tpu.vector_load %arg5[%parallel_loop3A_264] {strides = array<i32>} : memref<8192xf32, #tpu.memory_space<vmem>>, vector<16xf32>,
        %parallel_loop3A_266 = arith.constant 16 : i32
        %parallel_loop3A_267 = arith.addi %parallel_loop3A_263, %parallel_loop3A_266 : i32
        %parallel_loop3A_268 = arith.index_cast %parallel_loop3A_267 : i32 to index
        %parallel_loop3A_269 = tpu.vector_load %arg5[%parallel_loop3A_268] {strides = array<i32>} : memref<8192xf32, #tpu.memory_space<vmem>>, vector<16xf32>,
        %parallel_loop3A_270 = vector.extract_strided_slice %parallel_loop3A_173 {offsets = [12], sizes = [1], strides = [1]} : vector<16xi32> to vector<1xi32>
        %parallel_loop3A_271 = vector.extract %parallel_loop3A_270[0] : i32 from vector<1xi32>
        %parallel_loop3A_272 = arith.index_cast %parallel_loop3A_271 : i32 to index
        %parallel_loop3A_273 = tpu.vector_load %arg5[%parallel_loop3A_272] {strides = array<i32>} : memref<8192xf32, #tpu.memory_space<vmem>>, vector<16xf32>,
        %parallel_loop3A_274 = arith.constant 16 : i32
        %parallel_loop3A_275 = arith.addi %parallel_loop3A_271, %parallel_loop3A_274 : i32
        %parallel_loop3A_276 = arith.index_cast %parallel_loop3A_275 : i32 to index
        %parallel_loop3A_277 = tpu.vector_load %arg5[%parallel_loop3A_276] {strides = array<i32>} : memref<8192xf32, #tpu.memory_space<vmem>>, vector<16xf32>,
        %parallel_loop3A_278 = vector.extract_strided_slice %parallel_loop3A_173 {offsets = [13], sizes = [1], strides = [1]} : vector<16xi32> to vector<1xi32>
        %parallel_loop3A_279 = vector.extract %parallel_loop3A_278[0] : i32 from vector<1xi32>
        %parallel_loop3A_280 = arith.index_cast %parallel_loop3A_279 : i32 to index
        %parallel_loop3A_281 = tpu.vector_load %arg5[%parallel_loop3A_280] {strides = array<i32>} : memref<8192xf32, #tpu.memory_space<vmem>>, vector<16xf32>,
        %parallel_loop3A_282 = arith.constant 16 : i32
        %parallel_loop3A_283 = arith.addi %parallel_loop3A_279, %parallel_loop3A_282 : i32
        %parallel_loop3A_284 = arith.index_cast %parallel_loop3A_283 : i32 to index
        %parallel_loop3A_285 = tpu.vector_load %arg5[%parallel_loop3A_284] {strides = array<i32>} : memref<8192xf32, #tpu.memory_space<vmem>>, vector<16xf32>,
        %parallel_loop3A_286 = vector.extract_strided_slice %parallel_loop3A_173 {offsets = [14], sizes = [1], strides = [1]} : vector<16xi32> to vector<1xi32>
        %parallel_loop3A_287 = vector.extract %parallel_loop3A_286[0] : i32 from vector<1xi32>
        %parallel_loop3A_288 = arith.index_cast %parallel_loop3A_287 : i32 to index
        %parallel_loop3A_289 = tpu.vector_load %arg5[%parallel_loop3A_288] {strides = array<i32>} : memref<8192xf32, #tpu.memory_space<vmem>>, vector<16xf32>,
        %parallel_loop3A_290 = arith.constant 16 : i32
        %parallel_loop3A_291 = arith.addi %parallel_loop3A_287, %parallel_loop3A_290 : i32
        %parallel_loop3A_292 = arith.index_cast %parallel_loop3A_291 : i32 to index
        %parallel_loop3A_293 = tpu.vector_load %arg5[%parallel_loop3A_292] {strides = array<i32>} : memref<8192xf32, #tpu.memory_space<vmem>>, vector<16xf32>,
        %parallel_loop3A_294 = vector.extract_strided_slice %parallel_loop3A_173 {offsets = [15], sizes = [1], strides = [1]} : vector<16xi32> to vector<1xi32>
        %parallel_loop3A_295 = vector.extract %parallel_loop3A_294[0] : i32 from vector<1xi32>
        %parallel_loop3A_296 = arith.index_cast %parallel_loop3A_295 : i32 to index
        %parallel_loop3A_297 = tpu.vector_load %arg5[%parallel_loop3A_296] {strides = array<i32>} : memref<8192xf32, #tpu.memory_space<vmem>>, vector<16xf32>,
        %parallel_loop3A_298 = arith.constant 16 : i32
        %parallel_loop3A_299 = arith.addi %parallel_loop3A_295, %parallel_loop3A_298 : i32
        %parallel_loop3A_300 = arith.index_cast %parallel_loop3A_299 : i32 to index
        %parallel_loop3A_301 = tpu.vector_load %arg5[%parallel_loop3A_300] {strides = array<i32>} : memref<8192xf32, #tpu.memory_space<vmem>>, vector<16xf32>,
        %parallel_loop3A_302 = arith.constant 0 : i32
        %parallel_loop3A_303 = arith.addi %parallel_loop3A_165, %parallel_loop3A_302 : i32
        %parallel_loop3A_304 = arith.constant 0 : i32
        %parallel_loop3A_305 = tpu.memref_slice %arg7[%parallel_loop3A_92, %parallel_loop3A_304] : memref<2x51200xf32, #tpu.memory_space<vmem>> -> memref<1x51200xf32, #tpu.memory_space<vmem>>
        %parallel_loop3A_306 = tpu.memref_squeeze %parallel_loop3A_305 : memref<1x51200xf32, #tpu.memory_space<vmem>> -> memref<51200xf32, #tpu.memory_space<vmem>>
        %parallel_loop3A_307 = arith.index_cast %parallel_loop3A_303 : i32 to index
        %parallel_loop3A_308 = tpu.vector_load %parallel_loop3A_306[%parallel_loop3A_307] {strides = array<i32>} : memref<51200xf32, #tpu.memory_space<vmem>>, vector<16xf32>,
        tpu.vector_store %parallel_loop3A_306[%parallel_loop3A_307], %parallel_loop3A_177 {strides = array<i32>} : memref<51200xf32, #tpu.memory_space<vmem>>, vector<16xf32>,
        %parallel_loop3A_309 = arith.constant 16 : i32
        %parallel_loop3A_310 = arith.addi %parallel_loop3A_165, %parallel_loop3A_309 : i32
        %parallel_loop3A_311 = arith.constant 0 : i32
        %parallel_loop3A_312 = tpu.memref_slice %arg7[%parallel_loop3A_92, %parallel_loop3A_311] : memref<2x51200xf32, #tpu.memory_space<vmem>> -> memref<1x51200xf32, #tpu.memory_space<vmem>>
        %parallel_loop3A_313 = tpu.memref_squeeze %parallel_loop3A_312 : memref<1x51200xf32, #tpu.memory_space<vmem>> -> memref<51200xf32, #tpu.memory_space<vmem>>
        %parallel_loop3A_314 = arith.index_cast %parallel_loop3A_310 : i32 to index
        %parallel_loop3A_315 = tpu.vector_load %parallel_loop3A_313[%parallel_loop3A_314] {strides = array<i32>} : memref<51200xf32, #tpu.memory_space<vmem>>, vector<16xf32>,
        tpu.vector_store %parallel_loop3A_313[%parallel_loop3A_314], %parallel_loop3A_181 {strides = array<i32>} : memref<51200xf32, #tpu.memory_space<vmem>>, vector<16xf32>,
        %parallel_loop3A_316 = arith.constant 32 : i32
        %parallel_loop3A_317 = arith.addi %parallel_loop3A_165, %parallel_loop3A_316 : i32
        %parallel_loop3A_318 = arith.constant 0 : i32
        %parallel_loop3A_319 = tpu.memref_slice %arg7[%parallel_loop3A_92, %parallel_loop3A_318] : memref<2x51200xf32, #tpu.memory_space<vmem>> -> memref<1x51200xf32, #tpu.memory_space<vmem>>
        %parallel_loop3A_320 = tpu.memref_squeeze %parallel_loop3A_319 : memref<1x51200xf32, #tpu.memory_space<vmem>> -> memref<51200xf32, #tpu.memory_space<vmem>>
        %parallel_loop3A_321 = arith.index_cast %parallel_loop3A_317 : i32 to index
        %parallel_loop3A_322 = tpu.vector_load %parallel_loop3A_320[%parallel_loop3A_321] {strides = array<i32>} : memref<51200xf32, #tpu.memory_space<vmem>>, vector<16xf32>,
        tpu.vector_store %parallel_loop3A_320[%parallel_loop3A_321], %parallel_loop3A_185 {strides = array<i32>} : memref<51200xf32, #tpu.memory_space<vmem>>, vector<16xf32>,
        %parallel_loop3A_323 = arith.constant 48 : i32
        %parallel_loop3A_324 = arith.addi %parallel_loop3A_165, %parallel_loop3A_323 : i32
        %parallel_loop3A_325 = arith.constant 0 : i32
        %parallel_loop3A_326 = tpu.memref_slice %arg7[%parallel_loop3A_92, %parallel_loop3A_325] : memref<2x51200xf32, #tpu.memory_space<vmem>> -> memref<1x51200xf32, #tpu.memory_space<vmem>>
        %parallel_loop3A_327 = tpu.memref_squeeze %parallel_loop3A_326 : memref<1x51200xf32, #tpu.memory_space<vmem>> -> memref<51200xf32, #tpu.memory_space<vmem>>
        %parallel_loop3A_328 = arith.index_cast %parallel_loop3A_324 : i32 to index
        %parallel_loop3A_329 = tpu.vector_load %parallel_loop3A_327[%parallel_loop3A_328] {strides = array<i32>} : memref<51200xf32, #tpu.memory_space<vmem>>, vector<16xf32>,
        tpu.vector_store %parallel_loop3A_327[%parallel_loop3A_328], %parallel_loop3A_189 {strides = array<i32>} : memref<51200xf32, #tpu.memory_space<vmem>>, vector<16xf32>,
        %parallel_loop3A_330 = arith.constant 64 : i32
        %parallel_loop3A_331 = arith.addi %parallel_loop3A_165, %parallel_loop3A_330 : i32
        %parallel_loop3A_332 = arith.constant 0 : i32
        %parallel_loop3A_333 = tpu.memref_slice %arg7[%parallel_loop3A_92, %parallel_loop3A_332] : memref<2x51200xf32, #tpu.memory_space<vmem>> -> memref<1x51200xf32, #tpu.memory_space<vmem>>
        %parallel_loop3A_334 = tpu.memref_squeeze %parallel_loop3A_333 : memref<1x51200xf32, #tpu.memory_space<vmem>> -> memref<51200xf32, #tpu.memory_space<vmem>>
        %parallel_loop3A_335 = arith.index_cast %parallel_loop3A_331 : i32 to index
        %parallel_loop3A_336 = tpu.vector_load %parallel_loop3A_334[%parallel_loop3A_335] {strides = array<i32>} : memref<51200xf32, #tpu.memory_space<vmem>>, vector<16xf32>,
        tpu.vector_store %parallel_loop3A_334[%parallel_loop3A_335], %parallel_loop3A_193 {strides = array<i32>} : memref<51200xf32, #tpu.memory_space<vmem>>, vector<16xf32>,
        %parallel_loop3A_337 = arith.constant 80 : i32
        %parallel_loop3A_338 = arith.addi %parallel_loop3A_165, %parallel_loop3A_337 : i32
        %parallel_loop3A_339 = arith.constant 0 : i32
        %parallel_loop3A_340 = tpu.memref_slice %arg7[%parallel_loop3A_92, %parallel_loop3A_339] : memref<2x51200xf32, #tpu.memory_space<vmem>> -> memref<1x51200xf32, #tpu.memory_space<vmem>>
        %parallel_loop3A_341 = tpu.memref_squeeze %parallel_loop3A_340 : memref<1x51200xf32, #tpu.memory_space<vmem>> -> memref<51200xf32, #tpu.memory_space<vmem>>
        %parallel_loop3A_342 = arith.index_cast %parallel_loop3A_338 : i32 to index
        %parallel_loop3A_343 = tpu.vector_load %parallel_loop3A_341[%parallel_loop3A_342] {strides = array<i32>} : memref<51200xf32, #tpu.memory_space<vmem>>, vector<16xf32>,
        tpu.vector_store %parallel_loop3A_341[%parallel_loop3A_342], %parallel_loop3A_197 {strides = array<i32>} : memref<51200xf32, #tpu.memory_space<vmem>>, vector<16xf32>,
        %parallel_loop3A_344 = arith.constant 96 : i32
        %parallel_loop3A_345 = arith.addi %parallel_loop3A_165, %parallel_loop3A_344 : i32
        %parallel_loop3A_346 = arith.constant 0 : i32
        %parallel_loop3A_347 = tpu.memref_slice %arg7[%parallel_loop3A_92, %parallel_loop3A_346] : memref<2x51200xf32, #tpu.memory_space<vmem>> -> memref<1x51200xf32, #tpu.memory_space<vmem>>
        %parallel_loop3A_348 = tpu.memref_squeeze %parallel_loop3A_347 : memref<1x51200xf32, #tpu.memory_space<vmem>> -> memref<51200xf32, #tpu.memory_space<vmem>>
        %parallel_loop3A_349 = arith.index_cast %parallel_loop3A_345 : i32 to index
        %parallel_loop3A_350 = tpu.vector_load %parallel_loop3A_348[%parallel_loop3A_349] {strides = array<i32>} : memref<51200xf32, #tpu.memory_space<vmem>>, vector<16xf32>,
        tpu.vector_store %parallel_loop3A_348[%parallel_loop3A_349], %parallel_loop3A_201 {strides = array<i32>} : memref<51200xf32, #tpu.memory_space<vmem>>, vector<16xf32>,
        %parallel_loop3A_351 = arith.constant 112 : i32
        %parallel_loop3A_352 = arith.addi %parallel_loop3A_165, %parallel_loop3A_351 : i32
        %parallel_loop3A_353 = arith.constant 0 : i32
        %parallel_loop3A_354 = tpu.memref_slice %arg7[%parallel_loop3A_92, %parallel_loop3A_353] : memref<2x51200xf32, #tpu.memory_space<vmem>> -> memref<1x51200xf32, #tpu.memory_space<vmem>>
        %parallel_loop3A_355 = tpu.memref_squeeze %parallel_loop3A_354 : memref<1x51200xf32, #tpu.memory_space<vmem>> -> memref<51200xf32, #tpu.memory_space<vmem>>
        %parallel_loop3A_356 = arith.index_cast %parallel_loop3A_352 : i32 to index
        %parallel_loop3A_357 = tpu.vector_load %parallel_loop3A_355[%parallel_loop3A_356] {strides = array<i32>} : memref<51200xf32, #tpu.memory_space<vmem>>, vector<16xf32>,
        tpu.vector_store %parallel_loop3A_355[%parallel_loop3A_356], %parallel_loop3A_205 {strides = array<i32>} : memref<51200xf32, #tpu.memory_space<vmem>>, vector<16xf32>,
        %parallel_loop3A_358 = arith.constant 128 : i32
        %parallel_loop3A_359 = arith.addi %parallel_loop3A_165, %parallel_loop3A_358 : i32
        %parallel_loop3A_360 = arith.constant 0 : i32
        %parallel_loop3A_361 = tpu.memref_slice %arg7[%parallel_loop3A_92, %parallel_loop3A_360] : memref<2x51200xf32, #tpu.memory_space<vmem>> -> memref<1x51200xf32, #tpu.memory_space<vmem>>
        %parallel_loop3A_362 = tpu.memref_squeeze %parallel_loop3A_361 : memref<1x51200xf32, #tpu.memory_space<vmem>> -> memref<51200xf32, #tpu.memory_space<vmem>>
        %parallel_loop3A_363 = arith.index_cast %parallel_loop3A_359 : i32 to index
        %parallel_loop3A_364 = tpu.vector_load %parallel_loop3A_362[%parallel_loop3A_363] {strides = array<i32>} : memref<51200xf32, #tpu.memory_space<vmem>>, vector<16xf32>,
        tpu.vector_store %parallel_loop3A_362[%parallel_loop3A_363], %parallel_loop3A_209 {strides = array<i32>} : memref<51200xf32, #tpu.memory_space<vmem>>, vector<16xf32>,
        %parallel_loop3A_365 = arith.constant 144 : i32
        %parallel_loop3A_366 = arith.addi %parallel_loop3A_165, %parallel_loop3A_365 : i32
        %parallel_loop3A_367 = arith.constant 0 : i32
        %parallel_loop3A_368 = tpu.memref_slice %arg7[%parallel_loop3A_92, %parallel_loop3A_367] : memref<2x51200xf32, #tpu.memory_space<vmem>> -> memref<1x51200xf32, #tpu.memory_space<vmem>>
        %parallel_loop3A_369 = tpu.memref_squeeze %parallel_loop3A_368 : memref<1x51200xf32, #tpu.memory_space<vmem>> -> memref<51200xf32, #tpu.memory_space<vmem>>
        %parallel_loop3A_370 = arith.index_cast %parallel_loop3A_366 : i32 to index
        %parallel_loop3A_371 = tpu.vector_load %parallel_loop3A_369[%parallel_loop3A_370] {strides = array<i32>} : memref<51200xf32, #tpu.memory_space<vmem>>, vector<16xf32>,
        tpu.vector_store %parallel_loop3A_369[%parallel_loop3A_370], %parallel_loop3A_213 {strides = array<i32>} : memref<51200xf32, #tpu.memory_space<vmem>>, vector<16xf32>,
        %parallel_loop3A_372 = arith.constant 160 : i32
        %parallel_loop3A_373 = arith.addi %parallel_loop3A_165, %parallel_loop3A_372 : i32
        %parallel_loop3A_374 = arith.constant 0 : i32
        %parallel_loop3A_375 = tpu.memref_slice %arg7[%parallel_loop3A_92, %parallel_loop3A_374] : memref<2x51200xf32, #tpu.memory_space<vmem>> -> memref<1x51200xf32, #tpu.memory_space<vmem>>
        %parallel_loop3A_376 = tpu.memref_squeeze %parallel_loop3A_375 : memref<1x51200xf32, #tpu.memory_space<vmem>> -> memref<51200xf32, #tpu.memory_space<vmem>>
        %parallel_loop3A_377 = arith.index_cast %parallel_loop3A_373 : i32 to index
        %parallel_loop3A_378 = tpu.vector_load %parallel_loop3A_376[%parallel_loop3A_377] {strides = array<i32>} : memref<51200xf32, #tpu.memory_space<vmem>>, vector<16xf32>,
        tpu.vector_store %parallel_loop3A_376[%parallel_loop3A_377], %parallel_loop3A_217 {strides = array<i32>} : memref<51200xf32, #tpu.memory_space<vmem>>, vector<16xf32>,
        %parallel_loop3A_379 = arith.constant 176 : i32
        %parallel_loop3A_380 = arith.addi %parallel_loop3A_165, %parallel_loop3A_379 : i32
        %parallel_loop3A_381 = arith.constant 0 : i32
        %parallel_loop3A_382 = tpu.memref_slice %arg7[%parallel_loop3A_92, %parallel_loop3A_381] : memref<2x51200xf32, #tpu.memory_space<vmem>> -> memref<1x51200xf32, #tpu.memory_space<vmem>>
        %parallel_loop3A_383 = tpu.memref_squeeze %parallel_loop3A_382 : memref<1x51200xf32, #tpu.memory_space<vmem>> -> memref<51200xf32, #tpu.memory_space<vmem>>
        %parallel_loop3A_384 = arith.index_cast %parallel_loop3A_380 : i32 to index
        %parallel_loop3A_385 = tpu.vector_load %parallel_loop3A_383[%parallel_loop3A_384] {strides = array<i32>} : memref<51200xf32, #tpu.memory_space<vmem>>, vector<16xf32>,
        tpu.vector_store %parallel_loop3A_383[%parallel_loop3A_384], %parallel_loop3A_221 {strides = array<i32>} : memref<51200xf32, #tpu.memory_space<vmem>>, vector<16xf32>,
        %parallel_loop3A_386 = arith.constant 192 : i32
        %parallel_loop3A_387 = arith.addi %parallel_loop3A_165, %parallel_loop3A_386 : i32
        %parallel_loop3A_388 = arith.constant 0 : i32
        %parallel_loop3A_389 = tpu.memref_slice %arg7[%parallel_loop3A_92, %parallel_loop3A_388] : memref<2x51200xf32, #tpu.memory_space<vmem>> -> memref<1x51200xf32, #tpu.memory_space<vmem>>
        %parallel_loop3A_390 = tpu.memref_squeeze %parallel_loop3A_389 : memref<1x51200xf32, #tpu.memory_space<vmem>> -> memref<51200xf32, #tpu.memory_space<vmem>>
        %parallel_loop3A_391 = arith.index_cast %parallel_loop3A_387 : i32 to index
        %parallel_loop3A_392 = tpu.vector_load %parallel_loop3A_390[%parallel_loop3A_391] {strides = array<i32>} : memref<51200xf32, #tpu.memory_space<vmem>>, vector<16xf32>,
        tpu.vector_store %parallel_loop3A_390[%parallel_loop3A_391], %parallel_loop3A_225 {strides = array<i32>} : memref<51200xf32, #tpu.memory_space<vmem>>, vector<16xf32>,
        %parallel_loop3A_393 = arith.constant 208 : i32
        %parallel_loop3A_394 = arith.addi %parallel_loop3A_165, %parallel_loop3A_393 : i32
        %parallel_loop3A_395 = arith.constant 0 : i32
        %parallel_loop3A_396 = tpu.memref_slice %arg7[%parallel_loop3A_92, %parallel_loop3A_395] : memref<2x51200xf32, #tpu.memory_space<vmem>> -> memref<1x51200xf32, #tpu.memory_space<vmem>>
        %parallel_loop3A_397 = tpu.memref_squeeze %parallel_loop3A_396 : memref<1x51200xf32, #tpu.memory_space<vmem>> -> memref<51200xf32, #tpu.memory_space<vmem>>
        %parallel_loop3A_398 = arith.index_cast %parallel_loop3A_394 : i32 to index
        %parallel_loop3A_399 = tpu.vector_load %parallel_loop3A_397[%parallel_loop3A_398] {strides = array<i32>} : memref<51200xf32, #tpu.memory_space<vmem>>, vector<16xf32>,
        tpu.vector_store %parallel_loop3A_397[%parallel_loop3A_398], %parallel_loop3A_229 {strides = array<i32>} : memref<51200xf32, #tpu.memory_space<vmem>>, vector<16xf32>,
        %parallel_loop3A_400 = arith.constant 224 : i32
        %parallel_loop3A_401 = arith.addi %parallel_loop3A_165, %parallel_loop3A_400 : i32
        %parallel_loop3A_402 = arith.constant 0 : i32
        %parallel_loop3A_403 = tpu.memref_slice %arg7[%parallel_loop3A_92, %parallel_loop3A_402] : memref<2x51200xf32, #tpu.memory_space<vmem>> -> memref<1x51200xf32, #tpu.memory_space<vmem>>
        %parallel_loop3A_404 = tpu.memref_squeeze %parallel_loop3A_403 : memref<1x51200xf32, #tpu.memory_space<vmem>> -> memref<51200xf32, #tpu.memory_space<vmem>>
        %parallel_loop3A_405 = arith.index_cast %parallel_loop3A_401 : i32 to index
        %parallel_loop3A_406 = tpu.vector_load %parallel_loop3A_404[%parallel_loop3A_405] {strides = array<i32>} : memref<51200xf32, #tpu.memory_space<vmem>>, vector<16xf32>,
        tpu.vector_store %parallel_loop3A_404[%parallel_loop3A_405], %parallel_loop3A_233 {strides = array<i32>} : memref<51200xf32, #tpu.memory_space<vmem>>, vector<16xf32>,
        %parallel_loop3A_407 = arith.constant 240 : i32
        %parallel_loop3A_408 = arith.addi %parallel_loop3A_165, %parallel_loop3A_407 : i32
        %parallel_loop3A_409 = arith.constant 0 : i32
        %parallel_loop3A_410 = tpu.memref_slice %arg7[%parallel_loop3A_92, %parallel_loop3A_409] : memref<2x51200xf32, #tpu.memory_space<vmem>> -> memref<1x51200xf32, #tpu.memory_space<vmem>>
        %parallel_loop3A_411 = tpu.memref_squeeze %parallel_loop3A_410 : memref<1x51200xf32, #tpu.memory_space<vmem>> -> memref<51200xf32, #tpu.memory_space<vmem>>
        %parallel_loop3A_412 = arith.index_cast %parallel_loop3A_408 : i32 to index
        %parallel_loop3A_413 = tpu.vector_load %parallel_loop3A_411[%parallel_loop3A_412] {strides = array<i32>} : memref<51200xf32, #tpu.memory_space<vmem>>, vector<16xf32>,
        tpu.vector_store %parallel_loop3A_411[%parallel_loop3A_412], %parallel_loop3A_237 {strides = array<i32>} : memref<51200xf32, #tpu.memory_space<vmem>>, vector<16xf32>,
        %parallel_loop3A_414 = arith.constant 256 : i32
        %parallel_loop3A_415 = arith.addi %parallel_loop3A_165, %parallel_loop3A_414 : i32
        %parallel_loop3A_416 = arith.constant 0 : i32
        %parallel_loop3A_417 = tpu.memref_slice %arg7[%parallel_loop3A_92, %parallel_loop3A_416] : memref<2x51200xf32, #tpu.memory_space<vmem>> -> memref<1x51200xf32, #tpu.memory_space<vmem>>
        %parallel_loop3A_418 = tpu.memref_squeeze %parallel_loop3A_417 : memref<1x51200xf32, #tpu.memory_space<vmem>> -> memref<51200xf32, #tpu.memory_space<vmem>>
        %parallel_loop3A_419 = arith.index_cast %parallel_loop3A_415 : i32 to index
        %parallel_loop3A_420 = tpu.vector_load %parallel_loop3A_418[%parallel_loop3A_419] {strides = array<i32>} : memref<51200xf32, #tpu.memory_space<vmem>>, vector<16xf32>,
        tpu.vector_store %parallel_loop3A_418[%parallel_loop3A_419], %parallel_loop3A_241 {strides = array<i32>} : memref<51200xf32, #tpu.memory_space<vmem>>, vector<16xf32>,
        %parallel_loop3A_421 = arith.constant 272 : i32
        %parallel_loop3A_422 = arith.addi %parallel_loop3A_165, %parallel_loop3A_421 : i32
        %parallel_loop3A_423 = arith.constant 0 : i32
        %parallel_loop3A_424 = tpu.memref_slice %arg7[%parallel_loop3A_92, %parallel_loop3A_423] : memref<2x51200xf32, #tpu.memory_space<vmem>> -> memref<1x51200xf32, #tpu.memory_space<vmem>>
        %parallel_loop3A_425 = tpu.memref_squeeze %parallel_loop3A_424 : memref<1x51200xf32, #tpu.memory_space<vmem>> -> memref<51200xf32, #tpu.memory_space<vmem>>
        %parallel_loop3A_426 = arith.index_cast %parallel_loop3A_422 : i32 to index
        %parallel_loop3A_427 = tpu.vector_load %parallel_loop3A_425[%parallel_loop3A_426] {strides = array<i32>} : memref<51200xf32, #tpu.memory_space<vmem>>, vector<16xf32>,
        tpu.vector_store %parallel_loop3A_425[%parallel_loop3A_426], %parallel_loop3A_245 {strides = array<i32>} : memref<51200xf32, #tpu.memory_space<vmem>>, vector<16xf32>,
        %parallel_loop3A_428 = arith.constant 288 : i32
        %parallel_loop3A_429 = arith.addi %parallel_loop3A_165, %parallel_loop3A_428 : i32
        %parallel_loop3A_430 = arith.constant 0 : i32
        %parallel_loop3A_431 = tpu.memref_slice %arg7[%parallel_loop3A_92, %parallel_loop3A_430] : memref<2x51200xf32, #tpu.memory_space<vmem>> -> memref<1x51200xf32, #tpu.memory_space<vmem>>
        %parallel_loop3A_432 = tpu.memref_squeeze %parallel_loop3A_431 : memref<1x51200xf32, #tpu.memory_space<vmem>> -> memref<51200xf32, #tpu.memory_space<vmem>>
        %parallel_loop3A_433 = arith.index_cast %parallel_loop3A_429 : i32 to index
        %parallel_loop3A_434 = tpu.vector_load %parallel_loop3A_432[%parallel_loop3A_433] {strides = array<i32>} : memref<51200xf32, #tpu.memory_space<vmem>>, vector<16xf32>,
        tpu.vector_store %parallel_loop3A_432[%parallel_loop3A_433], %parallel_loop3A_249 {strides = array<i32>} : memref<51200xf32, #tpu.memory_space<vmem>>, vector<16xf32>,
        %parallel_loop3A_435 = arith.constant 304 : i32
        %parallel_loop3A_436 = arith.addi %parallel_loop3A_165, %parallel_loop3A_435 : i32
        %parallel_loop3A_437 = arith.constant 0 : i32
        %parallel_loop3A_438 = tpu.memref_slice %arg7[%parallel_loop3A_92, %parallel_loop3A_437] : memref<2x51200xf32, #tpu.memory_space<vmem>> -> memref<1x51200xf32, #tpu.memory_space<vmem>>
        %parallel_loop3A_439 = tpu.memref_squeeze %parallel_loop3A_438 : memref<1x51200xf32, #tpu.memory_space<vmem>> -> memref<51200xf32, #tpu.memory_space<vmem>>
        %parallel_loop3A_440 = arith.index_cast %parallel_loop3A_436 : i32 to index
        %parallel_loop3A_441 = tpu.vector_load %parallel_loop3A_439[%parallel_loop3A_440] {strides = array<i32>} : memref<51200xf32, #tpu.memory_space<vmem>>, vector<16xf32>,
        tpu.vector_store %parallel_loop3A_439[%parallel_loop3A_440], %parallel_loop3A_253 {strides = array<i32>} : memref<51200xf32, #tpu.memory_space<vmem>>, vector<16xf32>,
        %parallel_loop3A_442 = arith.constant 320 : i32
        %parallel_loop3A_443 = arith.addi %parallel_loop3A_165, %parallel_loop3A_442 : i32
        %parallel_loop3A_444 = arith.constant 0 : i32
        %parallel_loop3A_445 = tpu.memref_slice %arg7[%parallel_loop3A_92, %parallel_loop3A_444] : memref<2x51200xf32, #tpu.memory_space<vmem>> -> memref<1x51200xf32, #tpu.memory_space<vmem>>
        %parallel_loop3A_446 = tpu.memref_squeeze %parallel_loop3A_445 : memref<1x51200xf32, #tpu.memory_space<vmem>> -> memref<51200xf32, #tpu.memory_space<vmem>>
        %parallel_loop3A_447 = arith.index_cast %parallel_loop3A_443 : i32 to index
        %parallel_loop3A_448 = tpu.vector_load %parallel_loop3A_446[%parallel_loop3A_447] {strides = array<i32>} : memref<51200xf32, #tpu.memory_space<vmem>>, vector<16xf32>,
        tpu.vector_store %parallel_loop3A_446[%parallel_loop3A_447], %parallel_loop3A_257 {strides = array<i32>} : memref<51200xf32, #tpu.memory_space<vmem>>, vector<16xf32>,
        %parallel_loop3A_449 = arith.constant 336 : i32
        %parallel_loop3A_450 = arith.addi %parallel_loop3A_165, %parallel_loop3A_449 : i32
        %parallel_loop3A_451 = arith.constant 0 : i32
        %parallel_loop3A_452 = tpu.memref_slice %arg7[%parallel_loop3A_92, %parallel_loop3A_451] : memref<2x51200xf32, #tpu.memory_space<vmem>> -> memref<1x51200xf32, #tpu.memory_space<vmem>>
        %parallel_loop3A_453 = tpu.memref_squeeze %parallel_loop3A_452 : memref<1x51200xf32, #tpu.memory_space<vmem>> -> memref<51200xf32, #tpu.memory_space<vmem>>
        %parallel_loop3A_454 = arith.index_cast %parallel_loop3A_450 : i32 to index
        %parallel_loop3A_455 = tpu.vector_load %parallel_loop3A_453[%parallel_loop3A_454] {strides = array<i32>} : memref<51200xf32, #tpu.memory_space<vmem>>, vector<16xf32>,
        tpu.vector_store %parallel_loop3A_453[%parallel_loop3A_454], %parallel_loop3A_261 {strides = array<i32>} : memref<51200xf32, #tpu.memory_space<vmem>>, vector<16xf32>,
        %parallel_loop3A_456 = arith.constant 352 : i32
        %parallel_loop3A_457 = arith.addi %parallel_loop3A_165, %parallel_loop3A_456 : i32
        %parallel_loop3A_458 = arith.constant 0 : i32
        %parallel_loop3A_459 = tpu.memref_slice %arg7[%parallel_loop3A_92, %parallel_loop3A_458] : memref<2x51200xf32, #tpu.memory_space<vmem>> -> memref<1x51200xf32, #tpu.memory_space<vmem>>
        %parallel_loop3A_460 = tpu.memref_squeeze %parallel_loop3A_459 : memref<1x51200xf32, #tpu.memory_space<vmem>> -> memref<51200xf32, #tpu.memory_space<vmem>>
        %parallel_loop3A_461 = arith.index_cast %parallel_loop3A_457 : i32 to index
        %parallel_loop3A_462 = tpu.vector_load %parallel_loop3A_460[%parallel_loop3A_461] {strides = array<i32>} : memref<51200xf32, #tpu.memory_space<vmem>>, vector<16xf32>,
        tpu.vector_store %parallel_loop3A_460[%parallel_loop3A_461], %parallel_loop3A_265 {strides = array<i32>} : memref<51200xf32, #tpu.memory_space<vmem>>, vector<16xf32>,
        %parallel_loop3A_463 = arith.constant 368 : i32
        %parallel_loop3A_464 = arith.addi %parallel_loop3A_165, %parallel_loop3A_463 : i32
        %parallel_loop3A_465 = arith.constant 0 : i32
        %parallel_loop3A_466 = tpu.memref_slice %arg7[%parallel_loop3A_92, %parallel_loop3A_465] : memref<2x51200xf32, #tpu.memory_space<vmem>> -> memref<1x51200xf32, #tpu.memory_space<vmem>>
        %parallel_loop3A_467 = tpu.memref_squeeze %parallel_loop3A_466 : memref<1x51200xf32, #tpu.memory_space<vmem>> -> memref<51200xf32, #tpu.memory_space<vmem>>
        %parallel_loop3A_468 = arith.index_cast %parallel_loop3A_464 : i32 to index
        %parallel_loop3A_469 = tpu.vector_load %parallel_loop3A_467[%parallel_loop3A_468] {strides = array<i32>} : memref<51200xf32, #tpu.memory_space<vmem>>, vector<16xf32>,
        tpu.vector_store %parallel_loop3A_467[%parallel_loop3A_468], %parallel_loop3A_269 {strides = array<i32>} : memref<51200xf32, #tpu.memory_space<vmem>>, vector<16xf32>,
        %parallel_loop3A_470 = arith.constant 384 : i32
        %parallel_loop3A_471 = arith.addi %parallel_loop3A_165, %parallel_loop3A_470 : i32
        %parallel_loop3A_472 = arith.constant 0 : i32
        %parallel_loop3A_473 = tpu.memref_slice %arg7[%parallel_loop3A_92, %parallel_loop3A_472] : memref<2x51200xf32, #tpu.memory_space<vmem>> -> memref<1x51200xf32, #tpu.memory_space<vmem>>
        %parallel_loop3A_474 = tpu.memref_squeeze %parallel_loop3A_473 : memref<1x51200xf32, #tpu.memory_space<vmem>> -> memref<51200xf32, #tpu.memory_space<vmem>>
        %parallel_loop3A_475 = arith.index_cast %parallel_loop3A_471 : i32 to index
        %parallel_loop3A_476 = tpu.vector_load %parallel_loop3A_474[%parallel_loop3A_475] {strides = array<i32>} : memref<51200xf32, #tpu.memory_space<vmem>>, vector<16xf32>,
        tpu.vector_store %parallel_loop3A_474[%parallel_loop3A_475], %parallel_loop3A_273 {strides = array<i32>} : memref<51200xf32, #tpu.memory_space<vmem>>, vector<16xf32>,
        %parallel_loop3A_477 = arith.constant 400 : i32
        %parallel_loop3A_478 = arith.addi %parallel_loop3A_165, %parallel_loop3A_477 : i32
        %parallel_loop3A_479 = arith.constant 0 : i32
        %parallel_loop3A_480 = tpu.memref_slice %arg7[%parallel_loop3A_92, %parallel_loop3A_479] : memref<2x51200xf32, #tpu.memory_space<vmem>> -> memref<1x51200xf32, #tpu.memory_space<vmem>>
        %parallel_loop3A_481 = tpu.memref_squeeze %parallel_loop3A_480 : memref<1x51200xf32, #tpu.memory_space<vmem>> -> memref<51200xf32, #tpu.memory_space<vmem>>
        %parallel_loop3A_482 = arith.index_cast %parallel_loop3A_478 : i32 to index
        %parallel_loop3A_483 = tpu.vector_load %parallel_loop3A_481[%parallel_loop3A_482] {strides = array<i32>} : memref<51200xf32, #tpu.memory_space<vmem>>, vector<16xf32>,
        tpu.vector_store %parallel_loop3A_481[%parallel_loop3A_482], %parallel_loop3A_277 {strides = array<i32>} : memref<51200xf32, #tpu.memory_space<vmem>>, vector<16xf32>,
        %parallel_loop3A_484 = arith.constant 416 : i32
        %parallel_loop3A_485 = arith.addi %parallel_loop3A_165, %parallel_loop3A_484 : i32
        %parallel_loop3A_486 = arith.constant 0 : i32
        %parallel_loop3A_487 = tpu.memref_slice %arg7[%parallel_loop3A_92, %parallel_loop3A_486] : memref<2x51200xf32, #tpu.memory_space<vmem>> -> memref<1x51200xf32, #tpu.memory_space<vmem>>
        %parallel_loop3A_488 = tpu.memref_squeeze %parallel_loop3A_487 : memref<1x51200xf32, #tpu.memory_space<vmem>> -> memref<51200xf32, #tpu.memory_space<vmem>>
        %parallel_loop3A_489 = arith.index_cast %parallel_loop3A_485 : i32 to index
        %parallel_loop3A_490 = tpu.vector_load %parallel_loop3A_488[%parallel_loop3A_489] {strides = array<i32>} : memref<51200xf32, #tpu.memory_space<vmem>>, vector<16xf32>,
        tpu.vector_store %parallel_loop3A_488[%parallel_loop3A_489], %parallel_loop3A_281 {strides = array<i32>} : memref<51200xf32, #tpu.memory_space<vmem>>, vector<16xf32>,
        %parallel_loop3A_491 = arith.constant 432 : i32
        %parallel_loop3A_492 = arith.addi %parallel_loop3A_165, %parallel_loop3A_491 : i32
        %parallel_loop3A_493 = arith.constant 0 : i32
        %parallel_loop3A_494 = tpu.memref_slice %arg7[%parallel_loop3A_92, %parallel_loop3A_493] : memref<2x51200xf32, #tpu.memory_space<vmem>> -> memref<1x51200xf32, #tpu.memory_space<vmem>>
        %parallel_loop3A_495 = tpu.memref_squeeze %parallel_loop3A_494 : memref<1x51200xf32, #tpu.memory_space<vmem>> -> memref<51200xf32, #tpu.memory_space<vmem>>
        %parallel_loop3A_496 = arith.index_cast %parallel_loop3A_492 : i32 to index
        %parallel_loop3A_497 = tpu.vector_load %parallel_loop3A_495[%parallel_loop3A_496] {strides = array<i32>} : memref<51200xf32, #tpu.memory_space<vmem>>, vector<16xf32>,
        tpu.vector_store %parallel_loop3A_495[%parallel_loop3A_496], %parallel_loop3A_285 {strides = array<i32>} : memref<51200xf32, #tpu.memory_space<vmem>>, vector<16xf32>,
        %parallel_loop3A_498 = arith.constant 448 : i32
        %parallel_loop3A_499 = arith.addi %parallel_loop3A_165, %parallel_loop3A_498 : i32
        %parallel_loop3A_500 = arith.constant 0 : i32
        %parallel_loop3A_501 = tpu.memref_slice %arg7[%parallel_loop3A_92, %parallel_loop3A_500] : memref<2x51200xf32, #tpu.memory_space<vmem>> -> memref<1x51200xf32, #tpu.memory_space<vmem>>
        %parallel_loop3A_502 = tpu.memref_squeeze %parallel_loop3A_501 : memref<1x51200xf32, #tpu.memory_space<vmem>> -> memref<51200xf32, #tpu.memory_space<vmem>>
        %parallel_loop3A_503 = arith.index_cast %parallel_loop3A_499 : i32 to index
        %parallel_loop3A_504 = tpu.vector_load %parallel_loop3A_502[%parallel_loop3A_503] {strides = array<i32>} : memref<51200xf32, #tpu.memory_space<vmem>>, vector<16xf32>,
        tpu.vector_store %parallel_loop3A_502[%parallel_loop3A_503], %parallel_loop3A_289 {strides = array<i32>} : memref<51200xf32, #tpu.memory_space<vmem>>, vector<16xf32>,
        %parallel_loop3A_505 = arith.constant 464 : i32
        %parallel_loop3A_506 = arith.addi %parallel_loop3A_165, %parallel_loop3A_505 : i32
        %parallel_loop3A_507 = arith.constant 0 : i32
        %parallel_loop3A_508 = tpu.memref_slice %arg7[%parallel_loop3A_92, %parallel_loop3A_507] : memref<2x51200xf32, #tpu.memory_space<vmem>> -> memref<1x51200xf32, #tpu.memory_space<vmem>>
        %parallel_loop3A_509 = tpu.memref_squeeze %parallel_loop3A_508 : memref<1x51200xf32, #tpu.memory_space<vmem>> -> memref<51200xf32, #tpu.memory_space<vmem>>
        %parallel_loop3A_510 = arith.index_cast %parallel_loop3A_506 : i32 to index
        %parallel_loop3A_511 = tpu.vector_load %parallel_loop3A_509[%parallel_loop3A_510] {strides = array<i32>} : memref<51200xf32, #tpu.memory_space<vmem>>, vector<16xf32>,
        tpu.vector_store %parallel_loop3A_509[%parallel_loop3A_510], %parallel_loop3A_293 {strides = array<i32>} : memref<51200xf32, #tpu.memory_space<vmem>>, vector<16xf32>,
        %parallel_loop3A_512 = arith.constant 480 : i32
        %parallel_loop3A_513 = arith.addi %parallel_loop3A_165, %parallel_loop3A_512 : i32
        %parallel_loop3A_514 = arith.constant 0 : i32
        %parallel_loop3A_515 = tpu.memref_slice %arg7[%parallel_loop3A_92, %parallel_loop3A_514] : memref<2x51200xf32, #tpu.memory_space<vmem>> -> memref<1x51200xf32, #tpu.memory_space<vmem>>
        %parallel_loop3A_516 = tpu.memref_squeeze %parallel_loop3A_515 : memref<1x51200xf32, #tpu.memory_space<vmem>> -> memref<51200xf32, #tpu.memory_space<vmem>>
        %parallel_loop3A_517 = arith.index_cast %parallel_loop3A_513 : i32 to index
        %parallel_loop3A_518 = tpu.vector_load %parallel_loop3A_516[%parallel_loop3A_517] {strides = array<i32>} : memref<51200xf32, #tpu.memory_space<vmem>>, vector<16xf32>,
        tpu.vector_store %parallel_loop3A_516[%parallel_loop3A_517], %parallel_loop3A_297 {strides = array<i32>} : memref<51200xf32, #tpu.memory_space<vmem>>, vector<16xf32>,
        %parallel_loop3A_519 = arith.constant 496 : i32
        %parallel_loop3A_520 = arith.addi %parallel_loop3A_165, %parallel_loop3A_519 : i32
        %parallel_loop3A_521 = arith.constant 0 : i32
        %parallel_loop3A_522 = tpu.memref_slice %arg7[%parallel_loop3A_92, %parallel_loop3A_521] : memref<2x51200xf32, #tpu.memory_space<vmem>> -> memref<1x51200xf32, #tpu.memory_space<vmem>>
        %parallel_loop3A_523 = tpu.memref_squeeze %parallel_loop3A_522 : memref<1x51200xf32, #tpu.memory_space<vmem>> -> memref<51200xf32, #tpu.memory_space<vmem>>
        %parallel_loop3A_524 = arith.index_cast %parallel_loop3A_520 : i32 to index
        %parallel_loop3A_525 = tpu.vector_load %parallel_loop3A_523[%parallel_loop3A_524] {strides = array<i32>} : memref<51200xf32, #tpu.memory_space<vmem>>, vector<16xf32>,
        tpu.vector_store %parallel_loop3A_523[%parallel_loop3A_524], %parallel_loop3A_301 {strides = array<i32>} : memref<51200xf32, #tpu.memory_space<vmem>>, vector<16xf32>,
      } {sc.loop_unroll_factor = 1 : i64, sc.parallel_access}
      %mul3A_93 = arith.constant 32 : i32
      %mul3A_94 = arith.muli %add3A_74, %mul3A_93 : i32
      %dma_start3A_95 = arith.constant 0 : i32
      %dma_start3A_96 = arith.constant 0 : i32
      %dma_start3A_97 = arith.constant 0 : i32
      %dma_start3A_98 = tpu.memref_slice %arg7[%dma_start3A_95, %dma_start3A_97] : memref<2x51200xf32, #tpu.memory_space<vmem>> -> memref<1x51200xf32, #tpu.memory_space<vmem>>
      %dma_start3A_99 = tpu.memref_squeeze %dma_start3A_98 : memref<1x51200xf32, #tpu.memory_space<vmem>> -> memref<51200xf32, #tpu.memory_space<vmem>>
      %dma_start3A_100 = tpu.memref_slice %arg4[%mul3A_94] : memref<26214400xf32, #tpu.memory_space<hbm>> -> memref<51200xf32, #tpu.memory_space<hbm>>
      %dma_start3A_101 = tpu.memref_slice %arg9[%dma_start3A_96] : memref<2x!tpu.dma_semaphore, #tpu.memory_space<semaphore_mem>> -> memref<1x!tpu.dma_semaphore, #tpu.memory_space<semaphore_mem>>
      %dma_start3A_102 = tpu.memref_squeeze %dma_start3A_101 : memref<1x!tpu.dma_semaphore, #tpu.memory_space<semaphore_mem>> -> memref<!tpu.dma_semaphore, #tpu.memory_space<semaphore_mem>>
      %dma_start3A_103 = tpu.memref_slice %arg4[%mul3A_94] : memref<26214400xf32, #tpu.memory_space<hbm>> -> memref<51200xf32, #tpu.memory_space<hbm>>
      %dma_start3A_104 = arith.constant 0 : i32
      %dma_start3A_105 = tpu.memref_slice %arg7[%dma_start3A_95, %dma_start3A_104] : memref<2x51200xf32, #tpu.memory_space<vmem>> -> memref<1x51200xf32, #tpu.memory_space<vmem>>
      %dma_start3A_106 = tpu.memref_squeeze %dma_start3A_105 : memref<1x51200xf32, #tpu.memory_space<vmem>> -> memref<51200xf32, #tpu.memory_space<vmem>>
      tpu.enqueue_dma source(%dma_start3A_106 : memref<51200xf32, #tpu.memory_space<vmem>>) target(%dma_start3A_103 : memref<51200xf32, #tpu.memory_space<hbm>>) target_semaphore(%dma_start3A_102 : memref<!tpu.dma_semaphore, #tpu.memory_space<semaphore_mem>>)
      %add3A_107 = arith.constant 2 : i32
      %add3A_108 = arith.addi %add3A_71, %add3A_107 : i32
      %lt3A = arith.constant 16 : i32
      %lt3A_109 = arith.cmpi slt, %add3A_108, %lt3A : i32
      %convert_element_type3A_110 = arith.extui %lt3A_109 : i1 to i32
      %cond3A_111 = arith.constant 0 : i32
      %cond3A_112 = arith.cmpi ne, %convert_element_type3A_110, %cond3A_111 : i32
      scf.if %cond3A_112 {
        %add3A_161 = arith.constant 3200 : i32
        %add3A_162 = arith.addi %add3A_74, %add3A_161 : i32
        %dma_start3A_163 = arith.constant 0 : i32
        %dma_start3A_164 = arith.constant 0 : i32
        %dma_start3A_165 = arith.constant 0 : i32
        %dma_start3A_166 = tpu.memref_slice %arg6[%dma_start3A_163, %dma_start3A_165] : memref<2x1600xi32, #tpu.memory_space<vmem>> -> memref<1x1600xi32, #tpu.memory_space<vmem>>
        %dma_start3A_167 = tpu.memref_squeeze %dma_start3A_166 : memref<1x1600xi32, #tpu.memory_space<vmem>> -> memref<1600xi32, #tpu.memory_space<vmem>>
        %dma_start3A_168 = tpu.memref_slice %arg2[%add3A_162] : memref<819200xi32, #tpu.memory_space<hbm>> -> memref<1600xi32, #tpu.memory_space<hbm>>
        %dma_start3A_169 = tpu.memref_slice %arg8[%dma_start3A_164] : memref<2x!tpu.dma_semaphore, #tpu.memory_space<semaphore_mem>> -> memref<1x!tpu.dma_semaphore, #tpu.memory_space<semaphore_mem>>
        %dma_start3A_170 = tpu.memref_squeeze %dma_start3A_169 : memref<1x!tpu.dma_semaphore, #tpu.memory_space<semaphore_mem>> -> memref<!tpu.dma_semaphore, #tpu.memory_space<semaphore_mem>>
        %dma_start3A_171 = arith.constant 0 : i32
        %dma_start3A_172 = tpu.memref_slice %arg6[%dma_start3A_163, %dma_start3A_171] : memref<2x1600xi32, #tpu.memory_space<vmem>> -> memref<1x1600xi32, #tpu.memory_space<vmem>>
        %dma_start3A_173 = tpu.memref_squeeze %dma_start3A_172 : memref<1x1600xi32, #tpu.memory_space<vmem>> -> memref<1600xi32, #tpu.memory_space<vmem>>
        %dma_start3A_174 = tpu.memref_slice %arg2[%add3A_162] : memref<819200xi32, #tpu.memory_space<hbm>> -> memref<1600xi32, #tpu.memory_space<hbm>>
        tpu.enqueue_dma source(%dma_start3A_174 : memref<1600xi32, #tpu.memory_space<hbm>>) target(%dma_start3A_173 : memref<1600xi32, #tpu.memory_space<vmem>>) target_semaphore(%dma_start3A_170 : memref<!tpu.dma_semaphore, #tpu.memory_space<semaphore_mem>>)
      } else {
      }
      %add3A_113 = arith.constant 1 : i32
      %add3A_114 = arith.addi %add3A_69, %add3A_113 : i32
      %mul3A_115 = arith.constant 1600 : i32
      %mul3A_116 = arith.muli %add3A_114, %mul3A_115 : i32
      %add3A_117 = arith.addi %mul3A_2, %mul3A_116 : i32
      %dma_wait3A_118 = arith.constant 1 : i32
      %dma_wait3A_119 = arith.constant 1 : i32
      %dma_wait3A_120 = arith.constant 0 : i32
      %dma_wait3A_121 = tpu.memref_slice %arg6[%dma_wait3A_118, %dma_wait3A_120] : memref<2x1600xi32, #tpu.memory_space<vmem>> -> memref<1x1600xi32, #tpu.memory_space<vmem>>
      %dma_wait3A_122 = tpu.memref_squeeze %dma_wait3A_121 : memref<1x1600xi32, #tpu.memory_space<vmem>> -> memref<1600xi32, #tpu.memory_space<vmem>>
      %dma_wait3A_123 = tpu.memref_slice %arg2[%add3A_117] : memref<819200xi32, #tpu.memory_space<hbm>> -> memref<1600xi32, #tpu.memory_space<hbm>>
      %dma_wait3A_124 = tpu.memref_slice %arg8[%dma_wait3A_119] : memref<2x!tpu.dma_semaphore, #tpu.memory_space<semaphore_mem>> -> memref<1x!tpu.dma_semaphore, #tpu.memory_space<semaphore_mem>>
      %dma_wait3A_125 = tpu.memref_squeeze %dma_wait3A_124 : memref<1x!tpu.dma_semaphore, #tpu.memory_space<semaphore_mem>> -> memref<!tpu.dma_semaphore, #tpu.memory_space<semaphore_mem>>
      %dma_wait3A_126 = arith.constant 0 : i32
      %dma_wait3A_127 = tpu.memref_slice %arg6[%dma_wait3A_118, %dma_wait3A_126] : memref<2x1600xi32, #tpu.memory_space<vmem>> -> memref<1x1600xi32, #tpu.memory_space<vmem>>
      %dma_wait3A_128 = tpu.memref_squeeze %dma_wait3A_127 : memref<1x1600xi32, #tpu.memory_space<vmem>> -> memref<1600xi32, #tpu.memory_space<vmem>>
      %dma_wait3A_129 = tpu.memref_slice %arg2[%add3A_117] : memref<819200xi32, #tpu.memory_space<hbm>> -> memref<1600xi32, #tpu.memory_space<hbm>>
      tpu.wait_dma2 semaphore(%dma_wait3A_125 : memref<!tpu.dma_semaphore, #tpu.memory_space<semaphore_mem>>) src(%dma_wait3A_129 : memref<1600xi32, #tpu.memory_space<hbm>>) dst(%dma_wait3A_128 : memref<1600xi32, #tpu.memory_space<vmem>>)
      %ge3A_130 = arith.constant 2 : i32
      %ge3A_131 = arith.cmpi sge, %add3A_114, %ge3A_130 : i32
      %convert_element_type3A_132 = arith.extui %ge3A_131 : i1 to i32
      %cond3A_133 = arith.constant 0 : i32
      %cond3A_134 = arith.cmpi ne, %convert_element_type3A_132, %cond3A_133 : i32
      scf.if %cond3A_134 {
        %sub3A = arith.constant 3200 : i32
        %sub3A_161 = arith.subi %add3A_117, %sub3A : i32
        %mul3A_162 = arith.constant 32 : i32
        %mul3A_163 = arith.muli %sub3A_161, %mul3A_162 : i32
        %dma_wait3A_164 = arith.constant 1 : i32
        %dma_wait3A_165 = arith.constant 1 : i32
        %dma_wait3A_166 = arith.constant 0 : i32
        %dma_wait3A_167 = tpu.memref_slice %arg7[%dma_wait3A_164, %dma_wait3A_166] : memref<2x51200xf32, #tpu.memory_space<vmem>> -> memref<1x51200xf32, #tpu.memory_space<vmem>>
        %dma_wait3A_168 = tpu.memref_squeeze %dma_wait3A_167 : memref<1x51200xf32, #tpu.memory_space<vmem>> -> memref<51200xf32, #tpu.memory_space<vmem>>
        %dma_wait3A_169 = tpu.memref_slice %arg4[%mul3A_163] : memref<26214400xf32, #tpu.memory_space<hbm>> -> memref<51200xf32, #tpu.memory_space<hbm>>
        %dma_wait3A_170 = tpu.memref_slice %arg9[%dma_wait3A_165] : memref<2x!tpu.dma_semaphore, #tpu.memory_space<semaphore_mem>> -> memref<1x!tpu.dma_semaphore, #tpu.memory_space<semaphore_mem>>
        %dma_wait3A_171 = tpu.memref_squeeze %dma_wait3A_170 : memref<1x!tpu.dma_semaphore, #tpu.memory_space<semaphore_mem>> -> memref<!tpu.dma_semaphore, #tpu.memory_space<semaphore_mem>>
        %dma_wait3A_172 = tpu.memref_slice %arg4[%mul3A_163] : memref<26214400xf32, #tpu.memory_space<hbm>> -> memref<51200xf32, #tpu.memory_space<hbm>>
        %dma_wait3A_173 = arith.constant 0 : i32
        %dma_wait3A_174 = tpu.memref_slice %arg7[%dma_wait3A_164, %dma_wait3A_173] : memref<2x51200xf32, #tpu.memory_space<vmem>> -> memref<1x51200xf32, #tpu.memory_space<vmem>>
        %dma_wait3A_175 = tpu.memref_squeeze %dma_wait3A_174 : memref<1x51200xf32, #tpu.memory_space<vmem>> -> memref<51200xf32, #tpu.memory_space<vmem>>
        tpu.wait_dma2 semaphore(%dma_wait3A_171 : memref<!tpu.dma_semaphore, #tpu.memory_space<semaphore_mem>>) src(%dma_wait3A_175 : memref<51200xf32, #tpu.memory_space<vmem>>) dst(%dma_wait3A_172 : memref<51200xf32, #tpu.memory_space<hbm>>)
      } else {
      }
      %parallel_loop3A_135 = arith.constant 0 : i32
      %parallel_loop3A_136 = arith.constant 100 : i32
      %parallel_loop3A_137 = arith.constant 1 : i32
      %parallel_loop3A_138 = arith.constant 1 : i32
      %parallel_loop3A_139 = arith.constant 1 : i32
      scf.for %parallel_loop3A_161 = %parallel_loop3A_135 to %parallel_loop3A_136 step %parallel_loop3A_137  : i32 {
        %parallel_loop3A_162 = arith.constant 16 : i32
        %parallel_loop3A_163 = arith.muli %parallel_loop3A_161, %parallel_loop3A_162 : i32
        %parallel_loop3A_164 = arith.constant 512 : i32
        %parallel_loop3A_165 = arith.muli %parallel_loop3A_161, %parallel_loop3A_164 : i32
        %parallel_loop3A_166 = arith.constant 0 : i32
        %parallel_loop3A_167 = tpu.memref_slice %arg6[%parallel_loop3A_138, %parallel_loop3A_166] : memref<2x1600xi32, #tpu.memory_space<vmem>> -> memref<1x1600xi32, #tpu.memory_space<vmem>>
        %parallel_loop3A_168 = tpu.memref_squeeze %parallel_loop3A_167 : memref<1x1600xi32, #tpu.memory_space<vmem>> -> memref<1600xi32, #tpu.memory_space<vmem>>
        %parallel_loop3A_169 = arith.index_cast %parallel_loop3A_163 : i32 to index
        %parallel_loop3A_170 = tpu.vector_load %parallel_loop3A_168[%parallel_loop3A_169] {strides = array<i32>} : memref<1600xi32, #tpu.memory_space<vmem>>, vector<16xi32>,
        %parallel_loop3A_171 = arith.constant 32 : i32
        %parallel_loop3A_172 = vector.broadcast %parallel_loop3A_171 : i32 to vector<16xi32>
        %parallel_loop3A_173 = arith.muli %parallel_loop3A_170, %parallel_loop3A_172 : vector<16xi32>
        %parallel_loop3A_174 = vector.extract_strided_slice %parallel_loop3A_173 {offsets = [0], sizes = [1], strides = [1]} : vector<16xi32> to vector<1xi32>
        %parallel_loop3A_175 = vector.extract %parallel_loop3A_174[0] : i32 from vector<1xi32>
        %parallel_loop3A_176 = arith.index_cast %parallel_loop3A_175 : i32 to index
        %parallel_loop3A_177 = tpu.vector_load %arg5[%parallel_loop3A_176] {strides = array<i32>} : memref<8192xf32, #tpu.memory_space<vmem>>, vector<16xf32>,
        %parallel_loop3A_178 = arith.constant 16 : i32
        %parallel_loop3A_179 = arith.addi %parallel_loop3A_175, %parallel_loop3A_178 : i32
        %parallel_loop3A_180 = arith.index_cast %parallel_loop3A_179 : i32 to index
        %parallel_loop3A_181 = tpu.vector_load %arg5[%parallel_loop3A_180] {strides = array<i32>} : memref<8192xf32, #tpu.memory_space<vmem>>, vector<16xf32>,
        %parallel_loop3A_182 = vector.extract_strided_slice %parallel_loop3A_173 {offsets = [1], sizes = [1], strides = [1]} : vector<16xi32> to vector<1xi32>
        %parallel_loop3A_183 = vector.extract %parallel_loop3A_182[0] : i32 from vector<1xi32>
        %parallel_loop3A_184 = arith.index_cast %parallel_loop3A_183 : i32 to index
        %parallel_loop3A_185 = tpu.vector_load %arg5[%parallel_loop3A_184] {strides = array<i32>} : memref<8192xf32, #tpu.memory_space<vmem>>, vector<16xf32>,
        %parallel_loop3A_186 = arith.constant 16 : i32
        %parallel_loop3A_187 = arith.addi %parallel_loop3A_183, %parallel_loop3A_186 : i32
        %parallel_loop3A_188 = arith.index_cast %parallel_loop3A_187 : i32 to index
        %parallel_loop3A_189 = tpu.vector_load %arg5[%parallel_loop3A_188] {strides = array<i32>} : memref<8192xf32, #tpu.memory_space<vmem>>, vector<16xf32>,
        %parallel_loop3A_190 = vector.extract_strided_slice %parallel_loop3A_173 {offsets = [2], sizes = [1], strides = [1]} : vector<16xi32> to vector<1xi32>
        %parallel_loop3A_191 = vector.extract %parallel_loop3A_190[0] : i32 from vector<1xi32>
        %parallel_loop3A_192 = arith.index_cast %parallel_loop3A_191 : i32 to index
        %parallel_loop3A_193 = tpu.vector_load %arg5[%parallel_loop3A_192] {strides = array<i32>} : memref<8192xf32, #tpu.memory_space<vmem>>, vector<16xf32>,
        %parallel_loop3A_194 = arith.constant 16 : i32
        %parallel_loop3A_195 = arith.addi %parallel_loop3A_191, %parallel_loop3A_194 : i32
        %parallel_loop3A_196 = arith.index_cast %parallel_loop3A_195 : i32 to index
        %parallel_loop3A_197 = tpu.vector_load %arg5[%parallel_loop3A_196] {strides = array<i32>} : memref<8192xf32, #tpu.memory_space<vmem>>, vector<16xf32>,
        %parallel_loop3A_198 = vector.extract_strided_slice %parallel_loop3A_173 {offsets = [3], sizes = [1], strides = [1]} : vector<16xi32> to vector<1xi32>
        %parallel_loop3A_199 = vector.extract %parallel_loop3A_198[0] : i32 from vector<1xi32>
        %parallel_loop3A_200 = arith.index_cast %parallel_loop3A_199 : i32 to index
        %parallel_loop3A_201 = tpu.vector_load %arg5[%parallel_loop3A_200] {strides = array<i32>} : memref<8192xf32, #tpu.memory_space<vmem>>, vector<16xf32>,
        %parallel_loop3A_202 = arith.constant 16 : i32
        %parallel_loop3A_203 = arith.addi %parallel_loop3A_199, %parallel_loop3A_202 : i32
        %parallel_loop3A_204 = arith.index_cast %parallel_loop3A_203 : i32 to index
        %parallel_loop3A_205 = tpu.vector_load %arg5[%parallel_loop3A_204] {strides = array<i32>} : memref<8192xf32, #tpu.memory_space<vmem>>, vector<16xf32>,
        %parallel_loop3A_206 = vector.extract_strided_slice %parallel_loop3A_173 {offsets = [4], sizes = [1], strides = [1]} : vector<16xi32> to vector<1xi32>
        %parallel_loop3A_207 = vector.extract %parallel_loop3A_206[0] : i32 from vector<1xi32>
        %parallel_loop3A_208 = arith.index_cast %parallel_loop3A_207 : i32 to index
        %parallel_loop3A_209 = tpu.vector_load %arg5[%parallel_loop3A_208] {strides = array<i32>} : memref<8192xf32, #tpu.memory_space<vmem>>, vector<16xf32>,
        %parallel_loop3A_210 = arith.constant 16 : i32
        %parallel_loop3A_211 = arith.addi %parallel_loop3A_207, %parallel_loop3A_210 : i32
        %parallel_loop3A_212 = arith.index_cast %parallel_loop3A_211 : i32 to index
        %parallel_loop3A_213 = tpu.vector_load %arg5[%parallel_loop3A_212] {strides = array<i32>} : memref<8192xf32, #tpu.memory_space<vmem>>, vector<16xf32>,
        %parallel_loop3A_214 = vector.extract_strided_slice %parallel_loop3A_173 {offsets = [5], sizes = [1], strides = [1]} : vector<16xi32> to vector<1xi32>
        %parallel_loop3A_215 = vector.extract %parallel_loop3A_214[0] : i32 from vector<1xi32>
        %parallel_loop3A_216 = arith.index_cast %parallel_loop3A_215 : i32 to index
        %parallel_loop3A_217 = tpu.vector_load %arg5[%parallel_loop3A_216] {strides = array<i32>} : memref<8192xf32, #tpu.memory_space<vmem>>, vector<16xf32>,
        %parallel_loop3A_218 = arith.constant 16 : i32
        %parallel_loop3A_219 = arith.addi %parallel_loop3A_215, %parallel_loop3A_218 : i32
        %parallel_loop3A_220 = arith.index_cast %parallel_loop3A_219 : i32 to index
        %parallel_loop3A_221 = tpu.vector_load %arg5[%parallel_loop3A_220] {strides = array<i32>} : memref<8192xf32, #tpu.memory_space<vmem>>, vector<16xf32>,
        %parallel_loop3A_222 = vector.extract_strided_slice %parallel_loop3A_173 {offsets = [6], sizes = [1], strides = [1]} : vector<16xi32> to vector<1xi32>
        %parallel_loop3A_223 = vector.extract %parallel_loop3A_222[0] : i32 from vector<1xi32>
        %parallel_loop3A_224 = arith.index_cast %parallel_loop3A_223 : i32 to index
        %parallel_loop3A_225 = tpu.vector_load %arg5[%parallel_loop3A_224] {strides = array<i32>} : memref<8192xf32, #tpu.memory_space<vmem>>, vector<16xf32>,
        %parallel_loop3A_226 = arith.constant 16 : i32
        %parallel_loop3A_227 = arith.addi %parallel_loop3A_223, %parallel_loop3A_226 : i32
        %parallel_loop3A_228 = arith.index_cast %parallel_loop3A_227 : i32 to index
        %parallel_loop3A_229 = tpu.vector_load %arg5[%parallel_loop3A_228] {strides = array<i32>} : memref<8192xf32, #tpu.memory_space<vmem>>, vector<16xf32>,
        %parallel_loop3A_230 = vector.extract_strided_slice %parallel_loop3A_173 {offsets = [7], sizes = [1], strides = [1]} : vector<16xi32> to vector<1xi32>
        %parallel_loop3A_231 = vector.extract %parallel_loop3A_230[0] : i32 from vector<1xi32>
        %parallel_loop3A_232 = arith.index_cast %parallel_loop3A_231 : i32 to index
        %parallel_loop3A_233 = tpu.vector_load %arg5[%parallel_loop3A_232] {strides = array<i32>} : memref<8192xf32, #tpu.memory_space<vmem>>, vector<16xf32>,
        %parallel_loop3A_234 = arith.constant 16 : i32
        %parallel_loop3A_235 = arith.addi %parallel_loop3A_231, %parallel_loop3A_234 : i32
        %parallel_loop3A_236 = arith.index_cast %parallel_loop3A_235 : i32 to index
        %parallel_loop3A_237 = tpu.vector_load %arg5[%parallel_loop3A_236] {strides = array<i32>} : memref<8192xf32, #tpu.memory_space<vmem>>, vector<16xf32>,
        %parallel_loop3A_238 = vector.extract_strided_slice %parallel_loop3A_173 {offsets = [8], sizes = [1], strides = [1]} : vector<16xi32> to vector<1xi32>
        %parallel_loop3A_239 = vector.extract %parallel_loop3A_238[0] : i32 from vector<1xi32>
        %parallel_loop3A_240 = arith.index_cast %parallel_loop3A_239 : i32 to index
        %parallel_loop3A_241 = tpu.vector_load %arg5[%parallel_loop3A_240] {strides = array<i32>} : memref<8192xf32, #tpu.memory_space<vmem>>, vector<16xf32>,
        %parallel_loop3A_242 = arith.constant 16 : i32
        %parallel_loop3A_243 = arith.addi %parallel_loop3A_239, %parallel_loop3A_242 : i32
        %parallel_loop3A_244 = arith.index_cast %parallel_loop3A_243 : i32 to index
        %parallel_loop3A_245 = tpu.vector_load %arg5[%parallel_loop3A_244] {strides = array<i32>} : memref<8192xf32, #tpu.memory_space<vmem>>, vector<16xf32>,
        %parallel_loop3A_246 = vector.extract_strided_slice %parallel_loop3A_173 {offsets = [9], sizes = [1], strides = [1]} : vector<16xi32> to vector<1xi32>
        %parallel_loop3A_247 = vector.extract %parallel_loop3A_246[0] : i32 from vector<1xi32>
        %parallel_loop3A_248 = arith.index_cast %parallel_loop3A_247 : i32 to index
        %parallel_loop3A_249 = tpu.vector_load %arg5[%parallel_loop3A_248] {strides = array<i32>} : memref<8192xf32, #tpu.memory_space<vmem>>, vector<16xf32>,
        %parallel_loop3A_250 = arith.constant 16 : i32
        %parallel_loop3A_251 = arith.addi %parallel_loop3A_247, %parallel_loop3A_250 : i32
        %parallel_loop3A_252 = arith.index_cast %parallel_loop3A_251 : i32 to index
        %parallel_loop3A_253 = tpu.vector_load %arg5[%parallel_loop3A_252] {strides = array<i32>} : memref<8192xf32, #tpu.memory_space<vmem>>, vector<16xf32>,
        %parallel_loop3A_254 = vector.extract_strided_slice %parallel_loop3A_173 {offsets = [10], sizes = [1], strides = [1]} : vector<16xi32> to vector<1xi32>
        %parallel_loop3A_255 = vector.extract %parallel_loop3A_254[0] : i32 from vector<1xi32>
        %parallel_loop3A_256 = arith.index_cast %parallel_loop3A_255 : i32 to index
        %parallel_loop3A_257 = tpu.vector_load %arg5[%parallel_loop3A_256] {strides = array<i32>} : memref<8192xf32, #tpu.memory_space<vmem>>, vector<16xf32>,
        %parallel_loop3A_258 = arith.constant 16 : i32
        %parallel_loop3A_259 = arith.addi %parallel_loop3A_255, %parallel_loop3A_258 : i32
        %parallel_loop3A_260 = arith.index_cast %parallel_loop3A_259 : i32 to index
        %parallel_loop3A_261 = tpu.vector_load %arg5[%parallel_loop3A_260] {strides = array<i32>} : memref<8192xf32, #tpu.memory_space<vmem>>, vector<16xf32>,
        %parallel_loop3A_262 = vector.extract_strided_slice %parallel_loop3A_173 {offsets = [11], sizes = [1], strides = [1]} : vector<16xi32> to vector<1xi32>
        %parallel_loop3A_263 = vector.extract %parallel_loop3A_262[0] : i32 from vector<1xi32>
        %parallel_loop3A_264 = arith.index_cast %parallel_loop3A_263 : i32 to index
        %parallel_loop3A_265 = tpu.vector_load %arg5[%parallel_loop3A_264] {strides = array<i32>} : memref<8192xf32, #tpu.memory_space<vmem>>, vector<16xf32>,
        %parallel_loop3A_266 = arith.constant 16 : i32
        %parallel_loop3A_267 = arith.addi %parallel_loop3A_263, %parallel_loop3A_266 : i32
        %parallel_loop3A_268 = arith.index_cast %parallel_loop3A_267 : i32 to index
        %parallel_loop3A_269 = tpu.vector_load %arg5[%parallel_loop3A_268] {strides = array<i32>} : memref<8192xf32, #tpu.memory_space<vmem>>, vector<16xf32>,
        %parallel_loop3A_270 = vector.extract_strided_slice %parallel_loop3A_173 {offsets = [12], sizes = [1], strides = [1]} : vector<16xi32> to vector<1xi32>
        %parallel_loop3A_271 = vector.extract %parallel_loop3A_270[0] : i32 from vector<1xi32>
        %parallel_loop3A_272 = arith.index_cast %parallel_loop3A_271 : i32 to index
        %parallel_loop3A_273 = tpu.vector_load %arg5[%parallel_loop3A_272] {strides = array<i32>} : memref<8192xf32, #tpu.memory_space<vmem>>, vector<16xf32>,
        %parallel_loop3A_274 = arith.constant 16 : i32
        %parallel_loop3A_275 = arith.addi %parallel_loop3A_271, %parallel_loop3A_274 : i32
        %parallel_loop3A_276 = arith.index_cast %parallel_loop3A_275 : i32 to index
        %parallel_loop3A_277 = tpu.vector_load %arg5[%parallel_loop3A_276] {strides = array<i32>} : memref<8192xf32, #tpu.memory_space<vmem>>, vector<16xf32>,
        %parallel_loop3A_278 = vector.extract_strided_slice %parallel_loop3A_173 {offsets = [13], sizes = [1], strides = [1]} : vector<16xi32> to vector<1xi32>
        %parallel_loop3A_279 = vector.extract %parallel_loop3A_278[0] : i32 from vector<1xi32>
        %parallel_loop3A_280 = arith.index_cast %parallel_loop3A_279 : i32 to index
        %parallel_loop3A_281 = tpu.vector_load %arg5[%parallel_loop3A_280] {strides = array<i32>} : memref<8192xf32, #tpu.memory_space<vmem>>, vector<16xf32>,
        %parallel_loop3A_282 = arith.constant 16 : i32
        %parallel_loop3A_283 = arith.addi %parallel_loop3A_279, %parallel_loop3A_282 : i32
        %parallel_loop3A_284 = arith.index_cast %parallel_loop3A_283 : i32 to index
        %parallel_loop3A_285 = tpu.vector_load %arg5[%parallel_loop3A_284] {strides = array<i32>} : memref<8192xf32, #tpu.memory_space<vmem>>, vector<16xf32>,
        %parallel_loop3A_286 = vector.extract_strided_slice %parallel_loop3A_173 {offsets = [14], sizes = [1], strides = [1]} : vector<16xi32> to vector<1xi32>
        %parallel_loop3A_287 = vector.extract %parallel_loop3A_286[0] : i32 from vector<1xi32>
        %parallel_loop3A_288 = arith.index_cast %parallel_loop3A_287 : i32 to index
        %parallel_loop3A_289 = tpu.vector_load %arg5[%parallel_loop3A_288] {strides = array<i32>} : memref<8192xf32, #tpu.memory_space<vmem>>, vector<16xf32>,
        %parallel_loop3A_290 = arith.constant 16 : i32
        %parallel_loop3A_291 = arith.addi %parallel_loop3A_287, %parallel_loop3A_290 : i32
        %parallel_loop3A_292 = arith.index_cast %parallel_loop3A_291 : i32 to index
        %parallel_loop3A_293 = tpu.vector_load %arg5[%parallel_loop3A_292] {strides = array<i32>} : memref<8192xf32, #tpu.memory_space<vmem>>, vector<16xf32>,
        %parallel_loop3A_294 = vector.extract_strided_slice %parallel_loop3A_173 {offsets = [15], sizes = [1], strides = [1]} : vector<16xi32> to vector<1xi32>
        %parallel_loop3A_295 = vector.extract %parallel_loop3A_294[0] : i32 from vector<1xi32>
        %parallel_loop3A_296 = arith.index_cast %parallel_loop3A_295 : i32 to index
        %parallel_loop3A_297 = tpu.vector_load %arg5[%parallel_loop3A_296] {strides = array<i32>} : memref<8192xf32, #tpu.memory_space<vmem>>, vector<16xf32>,
        %parallel_loop3A_298 = arith.constant 16 : i32
        %parallel_loop3A_299 = arith.addi %parallel_loop3A_295, %parallel_loop3A_298 : i32
        %parallel_loop3A_300 = arith.index_cast %parallel_loop3A_299 : i32 to index
        %parallel_loop3A_301 = tpu.vector_load %arg5[%parallel_loop3A_300] {strides = array<i32>} : memref<8192xf32, #tpu.memory_space<vmem>>, vector<16xf32>,
        %parallel_loop3A_302 = arith.constant 0 : i32
        %parallel_loop3A_303 = arith.addi %parallel_loop3A_165, %parallel_loop3A_302 : i32
        %parallel_loop3A_304 = arith.constant 0 : i32
        %parallel_loop3A_305 = tpu.memref_slice %arg7[%parallel_loop3A_139, %parallel_loop3A_304] : memref<2x51200xf32, #tpu.memory_space<vmem>> -> memref<1x51200xf32, #tpu.memory_space<vmem>>
        %parallel_loop3A_306 = tpu.memref_squeeze %parallel_loop3A_305 : memref<1x51200xf32, #tpu.memory_space<vmem>> -> memref<51200xf32, #tpu.memory_space<vmem>>
        %parallel_loop3A_307 = arith.index_cast %parallel_loop3A_303 : i32 to index
        %parallel_loop3A_308 = tpu.vector_load %parallel_loop3A_306[%parallel_loop3A_307] {strides = array<i32>} : memref<51200xf32, #tpu.memory_space<vmem>>, vector<16xf32>,
        tpu.vector_store %parallel_loop3A_306[%parallel_loop3A_307], %parallel_loop3A_177 {strides = array<i32>} : memref<51200xf32, #tpu.memory_space<vmem>>, vector<16xf32>,
        %parallel_loop3A_309 = arith.constant 16 : i32
        %parallel_loop3A_310 = arith.addi %parallel_loop3A_165, %parallel_loop3A_309 : i32
        %parallel_loop3A_311 = arith.constant 0 : i32
        %parallel_loop3A_312 = tpu.memref_slice %arg7[%parallel_loop3A_139, %parallel_loop3A_311] : memref<2x51200xf32, #tpu.memory_space<vmem>> -> memref<1x51200xf32, #tpu.memory_space<vmem>>
        %parallel_loop3A_313 = tpu.memref_squeeze %parallel_loop3A_312 : memref<1x51200xf32, #tpu.memory_space<vmem>> -> memref<51200xf32, #tpu.memory_space<vmem>>
        %parallel_loop3A_314 = arith.index_cast %parallel_loop3A_310 : i32 to index
        %parallel_loop3A_315 = tpu.vector_load %parallel_loop3A_313[%parallel_loop3A_314] {strides = array<i32>} : memref<51200xf32, #tpu.memory_space<vmem>>, vector<16xf32>,
        tpu.vector_store %parallel_loop3A_313[%parallel_loop3A_314], %parallel_loop3A_181 {strides = array<i32>} : memref<51200xf32, #tpu.memory_space<vmem>>, vector<16xf32>,
        %parallel_loop3A_316 = arith.constant 32 : i32
        %parallel_loop3A_317 = arith.addi %parallel_loop3A_165, %parallel_loop3A_316 : i32
        %parallel_loop3A_318 = arith.constant 0 : i32
        %parallel_loop3A_319 = tpu.memref_slice %arg7[%parallel_loop3A_139, %parallel_loop3A_318] : memref<2x51200xf32, #tpu.memory_space<vmem>> -> memref<1x51200xf32, #tpu.memory_space<vmem>>
        %parallel_loop3A_320 = tpu.memref_squeeze %parallel_loop3A_319 : memref<1x51200xf32, #tpu.memory_space<vmem>> -> memref<51200xf32, #tpu.memory_space<vmem>>
        %parallel_loop3A_321 = arith.index_cast %parallel_loop3A_317 : i32 to index
        %parallel_loop3A_322 = tpu.vector_load %parallel_loop3A_320[%parallel_loop3A_321] {strides = array<i32>} : memref<51200xf32, #tpu.memory_space<vmem>>, vector<16xf32>,
        tpu.vector_store %parallel_loop3A_320[%parallel_loop3A_321], %parallel_loop3A_185 {strides = array<i32>} : memref<51200xf32, #tpu.memory_space<vmem>>, vector<16xf32>,
        %parallel_loop3A_323 = arith.constant 48 : i32
        %parallel_loop3A_324 = arith.addi %parallel_loop3A_165, %parallel_loop3A_323 : i32
        %parallel_loop3A_325 = arith.constant 0 : i32
        %parallel_loop3A_326 = tpu.memref_slice %arg7[%parallel_loop3A_139, %parallel_loop3A_325] : memref<2x51200xf32, #tpu.memory_space<vmem>> -> memref<1x51200xf32, #tpu.memory_space<vmem>>
        %parallel_loop3A_327 = tpu.memref_squeeze %parallel_loop3A_326 : memref<1x51200xf32, #tpu.memory_space<vmem>> -> memref<51200xf32, #tpu.memory_space<vmem>>
        %parallel_loop3A_328 = arith.index_cast %parallel_loop3A_324 : i32 to index
        %parallel_loop3A_329 = tpu.vector_load %parallel_loop3A_327[%parallel_loop3A_328] {strides = array<i32>} : memref<51200xf32, #tpu.memory_space<vmem>>, vector<16xf32>,
        tpu.vector_store %parallel_loop3A_327[%parallel_loop3A_328], %parallel_loop3A_189 {strides = array<i32>} : memref<51200xf32, #tpu.memory_space<vmem>>, vector<16xf32>,
        %parallel_loop3A_330 = arith.constant 64 : i32
        %parallel_loop3A_331 = arith.addi %parallel_loop3A_165, %parallel_loop3A_330 : i32
        %parallel_loop3A_332 = arith.constant 0 : i32
        %parallel_loop3A_333 = tpu.memref_slice %arg7[%parallel_loop3A_139, %parallel_loop3A_332] : memref<2x51200xf32, #tpu.memory_space<vmem>> -> memref<1x51200xf32, #tpu.memory_space<vmem>>
        %parallel_loop3A_334 = tpu.memref_squeeze %parallel_loop3A_333 : memref<1x51200xf32, #tpu.memory_space<vmem>> -> memref<51200xf32, #tpu.memory_space<vmem>>
        %parallel_loop3A_335 = arith.index_cast %parallel_loop3A_331 : i32 to index
        %parallel_loop3A_336 = tpu.vector_load %parallel_loop3A_334[%parallel_loop3A_335] {strides = array<i32>} : memref<51200xf32, #tpu.memory_space<vmem>>, vector<16xf32>,
        tpu.vector_store %parallel_loop3A_334[%parallel_loop3A_335], %parallel_loop3A_193 {strides = array<i32>} : memref<51200xf32, #tpu.memory_space<vmem>>, vector<16xf32>,
        %parallel_loop3A_337 = arith.constant 80 : i32
        %parallel_loop3A_338 = arith.addi %parallel_loop3A_165, %parallel_loop3A_337 : i32
        %parallel_loop3A_339 = arith.constant 0 : i32
        %parallel_loop3A_340 = tpu.memref_slice %arg7[%parallel_loop3A_139, %parallel_loop3A_339] : memref<2x51200xf32, #tpu.memory_space<vmem>> -> memref<1x51200xf32, #tpu.memory_space<vmem>>
        %parallel_loop3A_341 = tpu.memref_squeeze %parallel_loop3A_340 : memref<1x51200xf32, #tpu.memory_space<vmem>> -> memref<51200xf32, #tpu.memory_space<vmem>>
        %parallel_loop3A_342 = arith.index_cast %parallel_loop3A_338 : i32 to index
        %parallel_loop3A_343 = tpu.vector_load %parallel_loop3A_341[%parallel_loop3A_342] {strides = array<i32>} : memref<51200xf32, #tpu.memory_space<vmem>>, vector<16xf32>,
        tpu.vector_store %parallel_loop3A_341[%parallel_loop3A_342], %parallel_loop3A_197 {strides = array<i32>} : memref<51200xf32, #tpu.memory_space<vmem>>, vector<16xf32>,
        %parallel_loop3A_344 = arith.constant 96 : i32
        %parallel_loop3A_345 = arith.addi %parallel_loop3A_165, %parallel_loop3A_344 : i32
        %parallel_loop3A_346 = arith.constant 0 : i32
        %parallel_loop3A_347 = tpu.memref_slice %arg7[%parallel_loop3A_139, %parallel_loop3A_346] : memref<2x51200xf32, #tpu.memory_space<vmem>> -> memref<1x51200xf32, #tpu.memory_space<vmem>>
        %parallel_loop3A_348 = tpu.memref_squeeze %parallel_loop3A_347 : memref<1x51200xf32, #tpu.memory_space<vmem>> -> memref<51200xf32, #tpu.memory_space<vmem>>
        %parallel_loop3A_349 = arith.index_cast %parallel_loop3A_345 : i32 to index
        %parallel_loop3A_350 = tpu.vector_load %parallel_loop3A_348[%parallel_loop3A_349] {strides = array<i32>} : memref<51200xf32, #tpu.memory_space<vmem>>, vector<16xf32>,
        tpu.vector_store %parallel_loop3A_348[%parallel_loop3A_349], %parallel_loop3A_201 {strides = array<i32>} : memref<51200xf32, #tpu.memory_space<vmem>>, vector<16xf32>,
        %parallel_loop3A_351 = arith.constant 112 : i32
        %parallel_loop3A_352 = arith.addi %parallel_loop3A_165, %parallel_loop3A_351 : i32
        %parallel_loop3A_353 = arith.constant 0 : i32
        %parallel_loop3A_354 = tpu.memref_slice %arg7[%parallel_loop3A_139, %parallel_loop3A_353] : memref<2x51200xf32, #tpu.memory_space<vmem>> -> memref<1x51200xf32, #tpu.memory_space<vmem>>
        %parallel_loop3A_355 = tpu.memref_squeeze %parallel_loop3A_354 : memref<1x51200xf32, #tpu.memory_space<vmem>> -> memref<51200xf32, #tpu.memory_space<vmem>>
        %parallel_loop3A_356 = arith.index_cast %parallel_loop3A_352 : i32 to index
        %parallel_loop3A_357 = tpu.vector_load %parallel_loop3A_355[%parallel_loop3A_356] {strides = array<i32>} : memref<51200xf32, #tpu.memory_space<vmem>>, vector<16xf32>,
        tpu.vector_store %parallel_loop3A_355[%parallel_loop3A_356], %parallel_loop3A_205 {strides = array<i32>} : memref<51200xf32, #tpu.memory_space<vmem>>, vector<16xf32>,
        %parallel_loop3A_358 = arith.constant 128 : i32
        %parallel_loop3A_359 = arith.addi %parallel_loop3A_165, %parallel_loop3A_358 : i32
        %parallel_loop3A_360 = arith.constant 0 : i32
        %parallel_loop3A_361 = tpu.memref_slice %arg7[%parallel_loop3A_139, %parallel_loop3A_360] : memref<2x51200xf32, #tpu.memory_space<vmem>> -> memref<1x51200xf32, #tpu.memory_space<vmem>>
        %parallel_loop3A_362 = tpu.memref_squeeze %parallel_loop3A_361 : memref<1x51200xf32, #tpu.memory_space<vmem>> -> memref<51200xf32, #tpu.memory_space<vmem>>
        %parallel_loop3A_363 = arith.index_cast %parallel_loop3A_359 : i32 to index
        %parallel_loop3A_364 = tpu.vector_load %parallel_loop3A_362[%parallel_loop3A_363] {strides = array<i32>} : memref<51200xf32, #tpu.memory_space<vmem>>, vector<16xf32>,
        tpu.vector_store %parallel_loop3A_362[%parallel_loop3A_363], %parallel_loop3A_209 {strides = array<i32>} : memref<51200xf32, #tpu.memory_space<vmem>>, vector<16xf32>,
        %parallel_loop3A_365 = arith.constant 144 : i32
        %parallel_loop3A_366 = arith.addi %parallel_loop3A_165, %parallel_loop3A_365 : i32
        %parallel_loop3A_367 = arith.constant 0 : i32
        %parallel_loop3A_368 = tpu.memref_slice %arg7[%parallel_loop3A_139, %parallel_loop3A_367] : memref<2x51200xf32, #tpu.memory_space<vmem>> -> memref<1x51200xf32, #tpu.memory_space<vmem>>
        %parallel_loop3A_369 = tpu.memref_squeeze %parallel_loop3A_368 : memref<1x51200xf32, #tpu.memory_space<vmem>> -> memref<51200xf32, #tpu.memory_space<vmem>>
        %parallel_loop3A_370 = arith.index_cast %parallel_loop3A_366 : i32 to index
        %parallel_loop3A_371 = tpu.vector_load %parallel_loop3A_369[%parallel_loop3A_370] {strides = array<i32>} : memref<51200xf32, #tpu.memory_space<vmem>>, vector<16xf32>,
        tpu.vector_store %parallel_loop3A_369[%parallel_loop3A_370], %parallel_loop3A_213 {strides = array<i32>} : memref<51200xf32, #tpu.memory_space<vmem>>, vector<16xf32>,
        %parallel_loop3A_372 = arith.constant 160 : i32
        %parallel_loop3A_373 = arith.addi %parallel_loop3A_165, %parallel_loop3A_372 : i32
        %parallel_loop3A_374 = arith.constant 0 : i32
        %parallel_loop3A_375 = tpu.memref_slice %arg7[%parallel_loop3A_139, %parallel_loop3A_374] : memref<2x51200xf32, #tpu.memory_space<vmem>> -> memref<1x51200xf32, #tpu.memory_space<vmem>>
        %parallel_loop3A_376 = tpu.memref_squeeze %parallel_loop3A_375 : memref<1x51200xf32, #tpu.memory_space<vmem>> -> memref<51200xf32, #tpu.memory_space<vmem>>
        %parallel_loop3A_377 = arith.index_cast %parallel_loop3A_373 : i32 to index
        %parallel_loop3A_378 = tpu.vector_load %parallel_loop3A_376[%parallel_loop3A_377] {strides = array<i32>} : memref<51200xf32, #tpu.memory_space<vmem>>, vector<16xf32>,
        tpu.vector_store %parallel_loop3A_376[%parallel_loop3A_377], %parallel_loop3A_217 {strides = array<i32>} : memref<51200xf32, #tpu.memory_space<vmem>>, vector<16xf32>,
        %parallel_loop3A_379 = arith.constant 176 : i32
        %parallel_loop3A_380 = arith.addi %parallel_loop3A_165, %parallel_loop3A_379 : i32
        %parallel_loop3A_381 = arith.constant 0 : i32
        %parallel_loop3A_382 = tpu.memref_slice %arg7[%parallel_loop3A_139, %parallel_loop3A_381] : memref<2x51200xf32, #tpu.memory_space<vmem>> -> memref<1x51200xf32, #tpu.memory_space<vmem>>
        %parallel_loop3A_383 = tpu.memref_squeeze %parallel_loop3A_382 : memref<1x51200xf32, #tpu.memory_space<vmem>> -> memref<51200xf32, #tpu.memory_space<vmem>>
        %parallel_loop3A_384 = arith.index_cast %parallel_loop3A_380 : i32 to index
        %parallel_loop3A_385 = tpu.vector_load %parallel_loop3A_383[%parallel_loop3A_384] {strides = array<i32>} : memref<51200xf32, #tpu.memory_space<vmem>>, vector<16xf32>,
        tpu.vector_store %parallel_loop3A_383[%parallel_loop3A_384], %parallel_loop3A_221 {strides = array<i32>} : memref<51200xf32, #tpu.memory_space<vmem>>, vector<16xf32>,
        %parallel_loop3A_386 = arith.constant 192 : i32
        %parallel_loop3A_387 = arith.addi %parallel_loop3A_165, %parallel_loop3A_386 : i32
        %parallel_loop3A_388 = arith.constant 0 : i32
        %parallel_loop3A_389 = tpu.memref_slice %arg7[%parallel_loop3A_139, %parallel_loop3A_388] : memref<2x51200xf32, #tpu.memory_space<vmem>> -> memref<1x51200xf32, #tpu.memory_space<vmem>>
        %parallel_loop3A_390 = tpu.memref_squeeze %parallel_loop3A_389 : memref<1x51200xf32, #tpu.memory_space<vmem>> -> memref<51200xf32, #tpu.memory_space<vmem>>
        %parallel_loop3A_391 = arith.index_cast %parallel_loop3A_387 : i32 to index
        %parallel_loop3A_392 = tpu.vector_load %parallel_loop3A_390[%parallel_loop3A_391] {strides = array<i32>} : memref<51200xf32, #tpu.memory_space<vmem>>, vector<16xf32>,
        tpu.vector_store %parallel_loop3A_390[%parallel_loop3A_391], %parallel_loop3A_225 {strides = array<i32>} : memref<51200xf32, #tpu.memory_space<vmem>>, vector<16xf32>,
        %parallel_loop3A_393 = arith.constant 208 : i32
        %parallel_loop3A_394 = arith.addi %parallel_loop3A_165, %parallel_loop3A_393 : i32
        %parallel_loop3A_395 = arith.constant 0 : i32
        %parallel_loop3A_396 = tpu.memref_slice %arg7[%parallel_loop3A_139, %parallel_loop3A_395] : memref<2x51200xf32, #tpu.memory_space<vmem>> -> memref<1x51200xf32, #tpu.memory_space<vmem>>
        %parallel_loop3A_397 = tpu.memref_squeeze %parallel_loop3A_396 : memref<1x51200xf32, #tpu.memory_space<vmem>> -> memref<51200xf32, #tpu.memory_space<vmem>>
        %parallel_loop3A_398 = arith.index_cast %parallel_loop3A_394 : i32 to index
        %parallel_loop3A_399 = tpu.vector_load %parallel_loop3A_397[%parallel_loop3A_398] {strides = array<i32>} : memref<51200xf32, #tpu.memory_space<vmem>>, vector<16xf32>,
        tpu.vector_store %parallel_loop3A_397[%parallel_loop3A_398], %parallel_loop3A_229 {strides = array<i32>} : memref<51200xf32, #tpu.memory_space<vmem>>, vector<16xf32>,
        %parallel_loop3A_400 = arith.constant 224 : i32
        %parallel_loop3A_401 = arith.addi %parallel_loop3A_165, %parallel_loop3A_400 : i32
        %parallel_loop3A_402 = arith.constant 0 : i32
        %parallel_loop3A_403 = tpu.memref_slice %arg7[%parallel_loop3A_139, %parallel_loop3A_402] : memref<2x51200xf32, #tpu.memory_space<vmem>> -> memref<1x51200xf32, #tpu.memory_space<vmem>>
        %parallel_loop3A_404 = tpu.memref_squeeze %parallel_loop3A_403 : memref<1x51200xf32, #tpu.memory_space<vmem>> -> memref<51200xf32, #tpu.memory_space<vmem>>
        %parallel_loop3A_405 = arith.index_cast %parallel_loop3A_401 : i32 to index
        %parallel_loop3A_406 = tpu.vector_load %parallel_loop3A_404[%parallel_loop3A_405] {strides = array<i32>} : memref<51200xf32, #tpu.memory_space<vmem>>, vector<16xf32>,
        tpu.vector_store %parallel_loop3A_404[%parallel_loop3A_405], %parallel_loop3A_233 {strides = array<i32>} : memref<51200xf32, #tpu.memory_space<vmem>>, vector<16xf32>,
        %parallel_loop3A_407 = arith.constant 240 : i32
        %parallel_loop3A_408 = arith.addi %parallel_loop3A_165, %parallel_loop3A_407 : i32
        %parallel_loop3A_409 = arith.constant 0 : i32
        %parallel_loop3A_410 = tpu.memref_slice %arg7[%parallel_loop3A_139, %parallel_loop3A_409] : memref<2x51200xf32, #tpu.memory_space<vmem>> -> memref<1x51200xf32, #tpu.memory_space<vmem>>
        %parallel_loop3A_411 = tpu.memref_squeeze %parallel_loop3A_410 : memref<1x51200xf32, #tpu.memory_space<vmem>> -> memref<51200xf32, #tpu.memory_space<vmem>>
        %parallel_loop3A_412 = arith.index_cast %parallel_loop3A_408 : i32 to index
        %parallel_loop3A_413 = tpu.vector_load %parallel_loop3A_411[%parallel_loop3A_412] {strides = array<i32>} : memref<51200xf32, #tpu.memory_space<vmem>>, vector<16xf32>,
        tpu.vector_store %parallel_loop3A_411[%parallel_loop3A_412], %parallel_loop3A_237 {strides = array<i32>} : memref<51200xf32, #tpu.memory_space<vmem>>, vector<16xf32>,
        %parallel_loop3A_414 = arith.constant 256 : i32
        %parallel_loop3A_415 = arith.addi %parallel_loop3A_165, %parallel_loop3A_414 : i32
        %parallel_loop3A_416 = arith.constant 0 : i32
        %parallel_loop3A_417 = tpu.memref_slice %arg7[%parallel_loop3A_139, %parallel_loop3A_416] : memref<2x51200xf32, #tpu.memory_space<vmem>> -> memref<1x51200xf32, #tpu.memory_space<vmem>>
        %parallel_loop3A_418 = tpu.memref_squeeze %parallel_loop3A_417 : memref<1x51200xf32, #tpu.memory_space<vmem>> -> memref<51200xf32, #tpu.memory_space<vmem>>
        %parallel_loop3A_419 = arith.index_cast %parallel_loop3A_415 : i32 to index
        %parallel_loop3A_420 = tpu.vector_load %parallel_loop3A_418[%parallel_loop3A_419] {strides = array<i32>} : memref<51200xf32, #tpu.memory_space<vmem>>, vector<16xf32>,
        tpu.vector_store %parallel_loop3A_418[%parallel_loop3A_419], %parallel_loop3A_241 {strides = array<i32>} : memref<51200xf32, #tpu.memory_space<vmem>>, vector<16xf32>,
        %parallel_loop3A_421 = arith.constant 272 : i32
        %parallel_loop3A_422 = arith.addi %parallel_loop3A_165, %parallel_loop3A_421 : i32
        %parallel_loop3A_423 = arith.constant 0 : i32
        %parallel_loop3A_424 = tpu.memref_slice %arg7[%parallel_loop3A_139, %parallel_loop3A_423] : memref<2x51200xf32, #tpu.memory_space<vmem>> -> memref<1x51200xf32, #tpu.memory_space<vmem>>
        %parallel_loop3A_425 = tpu.memref_squeeze %parallel_loop3A_424 : memref<1x51200xf32, #tpu.memory_space<vmem>> -> memref<51200xf32, #tpu.memory_space<vmem>>
        %parallel_loop3A_426 = arith.index_cast %parallel_loop3A_422 : i32 to index
        %parallel_loop3A_427 = tpu.vector_load %parallel_loop3A_425[%parallel_loop3A_426] {strides = array<i32>} : memref<51200xf32, #tpu.memory_space<vmem>>, vector<16xf32>,
        tpu.vector_store %parallel_loop3A_425[%parallel_loop3A_426], %parallel_loop3A_245 {strides = array<i32>} : memref<51200xf32, #tpu.memory_space<vmem>>, vector<16xf32>,
        %parallel_loop3A_428 = arith.constant 288 : i32
        %parallel_loop3A_429 = arith.addi %parallel_loop3A_165, %parallel_loop3A_428 : i32
        %parallel_loop3A_430 = arith.constant 0 : i32
        %parallel_loop3A_431 = tpu.memref_slice %arg7[%parallel_loop3A_139, %parallel_loop3A_430] : memref<2x51200xf32, #tpu.memory_space<vmem>> -> memref<1x51200xf32, #tpu.memory_space<vmem>>
        %parallel_loop3A_432 = tpu.memref_squeeze %parallel_loop3A_431 : memref<1x51200xf32, #tpu.memory_space<vmem>> -> memref<51200xf32, #tpu.memory_space<vmem>>
        %parallel_loop3A_433 = arith.index_cast %parallel_loop3A_429 : i32 to index
        %parallel_loop3A_434 = tpu.vector_load %parallel_loop3A_432[%parallel_loop3A_433] {strides = array<i32>} : memref<51200xf32, #tpu.memory_space<vmem>>, vector<16xf32>,
        tpu.vector_store %parallel_loop3A_432[%parallel_loop3A_433], %parallel_loop3A_249 {strides = array<i32>} : memref<51200xf32, #tpu.memory_space<vmem>>, vector<16xf32>,
        %parallel_loop3A_435 = arith.constant 304 : i32
        %parallel_loop3A_436 = arith.addi %parallel_loop3A_165, %parallel_loop3A_435 : i32
        %parallel_loop3A_437 = arith.constant 0 : i32
        %parallel_loop3A_438 = tpu.memref_slice %arg7[%parallel_loop3A_139, %parallel_loop3A_437] : memref<2x51200xf32, #tpu.memory_space<vmem>> -> memref<1x51200xf32, #tpu.memory_space<vmem>>
        %parallel_loop3A_439 = tpu.memref_squeeze %parallel_loop3A_438 : memref<1x51200xf32, #tpu.memory_space<vmem>> -> memref<51200xf32, #tpu.memory_space<vmem>>
        %parallel_loop3A_440 = arith.index_cast %parallel_loop3A_436 : i32 to index
        %parallel_loop3A_441 = tpu.vector_load %parallel_loop3A_439[%parallel_loop3A_440] {strides = array<i32>} : memref<51200xf32, #tpu.memory_space<vmem>>, vector<16xf32>,
        tpu.vector_store %parallel_loop3A_439[%parallel_loop3A_440], %parallel_loop3A_253 {strides = array<i32>} : memref<51200xf32, #tpu.memory_space<vmem>>, vector<16xf32>,
        %parallel_loop3A_442 = arith.constant 320 : i32
        %parallel_loop3A_443 = arith.addi %parallel_loop3A_165, %parallel_loop3A_442 : i32
        %parallel_loop3A_444 = arith.constant 0 : i32
        %parallel_loop3A_445 = tpu.memref_slice %arg7[%parallel_loop3A_139, %parallel_loop3A_444] : memref<2x51200xf32, #tpu.memory_space<vmem>> -> memref<1x51200xf32, #tpu.memory_space<vmem>>
        %parallel_loop3A_446 = tpu.memref_squeeze %parallel_loop3A_445 : memref<1x51200xf32, #tpu.memory_space<vmem>> -> memref<51200xf32, #tpu.memory_space<vmem>>
        %parallel_loop3A_447 = arith.index_cast %parallel_loop3A_443 : i32 to index
        %parallel_loop3A_448 = tpu.vector_load %parallel_loop3A_446[%parallel_loop3A_447] {strides = array<i32>} : memref<51200xf32, #tpu.memory_space<vmem>>, vector<16xf32>,
        tpu.vector_store %parallel_loop3A_446[%parallel_loop3A_447], %parallel_loop3A_257 {strides = array<i32>} : memref<51200xf32, #tpu.memory_space<vmem>>, vector<16xf32>,
        %parallel_loop3A_449 = arith.constant 336 : i32
        %parallel_loop3A_450 = arith.addi %parallel_loop3A_165, %parallel_loop3A_449 : i32
        %parallel_loop3A_451 = arith.constant 0 : i32
        %parallel_loop3A_452 = tpu.memref_slice %arg7[%parallel_loop3A_139, %parallel_loop3A_451] : memref<2x51200xf32, #tpu.memory_space<vmem>> -> memref<1x51200xf32, #tpu.memory_space<vmem>>
        %parallel_loop3A_453 = tpu.memref_squeeze %parallel_loop3A_452 : memref<1x51200xf32, #tpu.memory_space<vmem>> -> memref<51200xf32, #tpu.memory_space<vmem>>
        %parallel_loop3A_454 = arith.index_cast %parallel_loop3A_450 : i32 to index
        %parallel_loop3A_455 = tpu.vector_load %parallel_loop3A_453[%parallel_loop3A_454] {strides = array<i32>} : memref<51200xf32, #tpu.memory_space<vmem>>, vector<16xf32>,
        tpu.vector_store %parallel_loop3A_453[%parallel_loop3A_454], %parallel_loop3A_261 {strides = array<i32>} : memref<51200xf32, #tpu.memory_space<vmem>>, vector<16xf32>,
        %parallel_loop3A_456 = arith.constant 352 : i32
        %parallel_loop3A_457 = arith.addi %parallel_loop3A_165, %parallel_loop3A_456 : i32
        %parallel_loop3A_458 = arith.constant 0 : i32
        %parallel_loop3A_459 = tpu.memref_slice %arg7[%parallel_loop3A_139, %parallel_loop3A_458] : memref<2x51200xf32, #tpu.memory_space<vmem>> -> memref<1x51200xf32, #tpu.memory_space<vmem>>
        %parallel_loop3A_460 = tpu.memref_squeeze %parallel_loop3A_459 : memref<1x51200xf32, #tpu.memory_space<vmem>> -> memref<51200xf32, #tpu.memory_space<vmem>>
        %parallel_loop3A_461 = arith.index_cast %parallel_loop3A_457 : i32 to index
        %parallel_loop3A_462 = tpu.vector_load %parallel_loop3A_460[%parallel_loop3A_461] {strides = array<i32>} : memref<51200xf32, #tpu.memory_space<vmem>>, vector<16xf32>,
        tpu.vector_store %parallel_loop3A_460[%parallel_loop3A_461], %parallel_loop3A_265 {strides = array<i32>} : memref<51200xf32, #tpu.memory_space<vmem>>, vector<16xf32>,
        %parallel_loop3A_463 = arith.constant 368 : i32
        %parallel_loop3A_464 = arith.addi %parallel_loop3A_165, %parallel_loop3A_463 : i32
        %parallel_loop3A_465 = arith.constant 0 : i32
        %parallel_loop3A_466 = tpu.memref_slice %arg7[%parallel_loop3A_139, %parallel_loop3A_465] : memref<2x51200xf32, #tpu.memory_space<vmem>> -> memref<1x51200xf32, #tpu.memory_space<vmem>>
        %parallel_loop3A_467 = tpu.memref_squeeze %parallel_loop3A_466 : memref<1x51200xf32, #tpu.memory_space<vmem>> -> memref<51200xf32, #tpu.memory_space<vmem>>
        %parallel_loop3A_468 = arith.index_cast %parallel_loop3A_464 : i32 to index
        %parallel_loop3A_469 = tpu.vector_load %parallel_loop3A_467[%parallel_loop3A_468] {strides = array<i32>} : memref<51200xf32, #tpu.memory_space<vmem>>, vector<16xf32>,
        tpu.vector_store %parallel_loop3A_467[%parallel_loop3A_468], %parallel_loop3A_269 {strides = array<i32>} : memref<51200xf32, #tpu.memory_space<vmem>>, vector<16xf32>,
        %parallel_loop3A_470 = arith.constant 384 : i32
        %parallel_loop3A_471 = arith.addi %parallel_loop3A_165, %parallel_loop3A_470 : i32
        %parallel_loop3A_472 = arith.constant 0 : i32
        %parallel_loop3A_473 = tpu.memref_slice %arg7[%parallel_loop3A_139, %parallel_loop3A_472] : memref<2x51200xf32, #tpu.memory_space<vmem>> -> memref<1x51200xf32, #tpu.memory_space<vmem>>
        %parallel_loop3A_474 = tpu.memref_squeeze %parallel_loop3A_473 : memref<1x51200xf32, #tpu.memory_space<vmem>> -> memref<51200xf32, #tpu.memory_space<vmem>>
        %parallel_loop3A_475 = arith.index_cast %parallel_loop3A_471 : i32 to index
        %parallel_loop3A_476 = tpu.vector_load %parallel_loop3A_474[%parallel_loop3A_475] {strides = array<i32>} : memref<51200xf32, #tpu.memory_space<vmem>>, vector<16xf32>,
        tpu.vector_store %parallel_loop3A_474[%parallel_loop3A_475], %parallel_loop3A_273 {strides = array<i32>} : memref<51200xf32, #tpu.memory_space<vmem>>, vector<16xf32>,
        %parallel_loop3A_477 = arith.constant 400 : i32
        %parallel_loop3A_478 = arith.addi %parallel_loop3A_165, %parallel_loop3A_477 : i32
        %parallel_loop3A_479 = arith.constant 0 : i32
        %parallel_loop3A_480 = tpu.memref_slice %arg7[%parallel_loop3A_139, %parallel_loop3A_479] : memref<2x51200xf32, #tpu.memory_space<vmem>> -> memref<1x51200xf32, #tpu.memory_space<vmem>>
        %parallel_loop3A_481 = tpu.memref_squeeze %parallel_loop3A_480 : memref<1x51200xf32, #tpu.memory_space<vmem>> -> memref<51200xf32, #tpu.memory_space<vmem>>
        %parallel_loop3A_482 = arith.index_cast %parallel_loop3A_478 : i32 to index
        %parallel_loop3A_483 = tpu.vector_load %parallel_loop3A_481[%parallel_loop3A_482] {strides = array<i32>} : memref<51200xf32, #tpu.memory_space<vmem>>, vector<16xf32>,
        tpu.vector_store %parallel_loop3A_481[%parallel_loop3A_482], %parallel_loop3A_277 {strides = array<i32>} : memref<51200xf32, #tpu.memory_space<vmem>>, vector<16xf32>,
        %parallel_loop3A_484 = arith.constant 416 : i32
        %parallel_loop3A_485 = arith.addi %parallel_loop3A_165, %parallel_loop3A_484 : i32
        %parallel_loop3A_486 = arith.constant 0 : i32
        %parallel_loop3A_487 = tpu.memref_slice %arg7[%parallel_loop3A_139, %parallel_loop3A_486] : memref<2x51200xf32, #tpu.memory_space<vmem>> -> memref<1x51200xf32, #tpu.memory_space<vmem>>
        %parallel_loop3A_488 = tpu.memref_squeeze %parallel_loop3A_487 : memref<1x51200xf32, #tpu.memory_space<vmem>> -> memref<51200xf32, #tpu.memory_space<vmem>>
        %parallel_loop3A_489 = arith.index_cast %parallel_loop3A_485 : i32 to index
        %parallel_loop3A_490 = tpu.vector_load %parallel_loop3A_488[%parallel_loop3A_489] {strides = array<i32>} : memref<51200xf32, #tpu.memory_space<vmem>>, vector<16xf32>,
        tpu.vector_store %parallel_loop3A_488[%parallel_loop3A_489], %parallel_loop3A_281 {strides = array<i32>} : memref<51200xf32, #tpu.memory_space<vmem>>, vector<16xf32>,
        %parallel_loop3A_491 = arith.constant 432 : i32
        %parallel_loop3A_492 = arith.addi %parallel_loop3A_165, %parallel_loop3A_491 : i32
        %parallel_loop3A_493 = arith.constant 0 : i32
        %parallel_loop3A_494 = tpu.memref_slice %arg7[%parallel_loop3A_139, %parallel_loop3A_493] : memref<2x51200xf32, #tpu.memory_space<vmem>> -> memref<1x51200xf32, #tpu.memory_space<vmem>>
        %parallel_loop3A_495 = tpu.memref_squeeze %parallel_loop3A_494 : memref<1x51200xf32, #tpu.memory_space<vmem>> -> memref<51200xf32, #tpu.memory_space<vmem>>
        %parallel_loop3A_496 = arith.index_cast %parallel_loop3A_492 : i32 to index
        %parallel_loop3A_497 = tpu.vector_load %parallel_loop3A_495[%parallel_loop3A_496] {strides = array<i32>} : memref<51200xf32, #tpu.memory_space<vmem>>, vector<16xf32>,
        tpu.vector_store %parallel_loop3A_495[%parallel_loop3A_496], %parallel_loop3A_285 {strides = array<i32>} : memref<51200xf32, #tpu.memory_space<vmem>>, vector<16xf32>,
        %parallel_loop3A_498 = arith.constant 448 : i32
        %parallel_loop3A_499 = arith.addi %parallel_loop3A_165, %parallel_loop3A_498 : i32
        %parallel_loop3A_500 = arith.constant 0 : i32
        %parallel_loop3A_501 = tpu.memref_slice %arg7[%parallel_loop3A_139, %parallel_loop3A_500] : memref<2x51200xf32, #tpu.memory_space<vmem>> -> memref<1x51200xf32, #tpu.memory_space<vmem>>
        %parallel_loop3A_502 = tpu.memref_squeeze %parallel_loop3A_501 : memref<1x51200xf32, #tpu.memory_space<vmem>> -> memref<51200xf32, #tpu.memory_space<vmem>>
        %parallel_loop3A_503 = arith.index_cast %parallel_loop3A_499 : i32 to index
        %parallel_loop3A_504 = tpu.vector_load %parallel_loop3A_502[%parallel_loop3A_503] {strides = array<i32>} : memref<51200xf32, #tpu.memory_space<vmem>>, vector<16xf32>,
        tpu.vector_store %parallel_loop3A_502[%parallel_loop3A_503], %parallel_loop3A_289 {strides = array<i32>} : memref<51200xf32, #tpu.memory_space<vmem>>, vector<16xf32>,
        %parallel_loop3A_505 = arith.constant 464 : i32
        %parallel_loop3A_506 = arith.addi %parallel_loop3A_165, %parallel_loop3A_505 : i32
        %parallel_loop3A_507 = arith.constant 0 : i32
        %parallel_loop3A_508 = tpu.memref_slice %arg7[%parallel_loop3A_139, %parallel_loop3A_507] : memref<2x51200xf32, #tpu.memory_space<vmem>> -> memref<1x51200xf32, #tpu.memory_space<vmem>>
        %parallel_loop3A_509 = tpu.memref_squeeze %parallel_loop3A_508 : memref<1x51200xf32, #tpu.memory_space<vmem>> -> memref<51200xf32, #tpu.memory_space<vmem>>
        %parallel_loop3A_510 = arith.index_cast %parallel_loop3A_506 : i32 to index
        %parallel_loop3A_511 = tpu.vector_load %parallel_loop3A_509[%parallel_loop3A_510] {strides = array<i32>} : memref<51200xf32, #tpu.memory_space<vmem>>, vector<16xf32>,
        tpu.vector_store %parallel_loop3A_509[%parallel_loop3A_510], %parallel_loop3A_293 {strides = array<i32>} : memref<51200xf32, #tpu.memory_space<vmem>>, vector<16xf32>,
        %parallel_loop3A_512 = arith.constant 480 : i32
        %parallel_loop3A_513 = arith.addi %parallel_loop3A_165, %parallel_loop3A_512 : i32
        %parallel_loop3A_514 = arith.constant 0 : i32
        %parallel_loop3A_515 = tpu.memref_slice %arg7[%parallel_loop3A_139, %parallel_loop3A_514] : memref<2x51200xf32, #tpu.memory_space<vmem>> -> memref<1x51200xf32, #tpu.memory_space<vmem>>
        %parallel_loop3A_516 = tpu.memref_squeeze %parallel_loop3A_515 : memref<1x51200xf32, #tpu.memory_space<vmem>> -> memref<51200xf32, #tpu.memory_space<vmem>>
        %parallel_loop3A_517 = arith.index_cast %parallel_loop3A_513 : i32 to index
        %parallel_loop3A_518 = tpu.vector_load %parallel_loop3A_516[%parallel_loop3A_517] {strides = array<i32>} : memref<51200xf32, #tpu.memory_space<vmem>>, vector<16xf32>,
        tpu.vector_store %parallel_loop3A_516[%parallel_loop3A_517], %parallel_loop3A_297 {strides = array<i32>} : memref<51200xf32, #tpu.memory_space<vmem>>, vector<16xf32>,
        %parallel_loop3A_519 = arith.constant 496 : i32
        %parallel_loop3A_520 = arith.addi %parallel_loop3A_165, %parallel_loop3A_519 : i32
        %parallel_loop3A_521 = arith.constant 0 : i32
        %parallel_loop3A_522 = tpu.memref_slice %arg7[%parallel_loop3A_139, %parallel_loop3A_521] : memref<2x51200xf32, #tpu.memory_space<vmem>> -> memref<1x51200xf32, #tpu.memory_space<vmem>>
        %parallel_loop3A_523 = tpu.memref_squeeze %parallel_loop3A_522 : memref<1x51200xf32, #tpu.memory_space<vmem>> -> memref<51200xf32, #tpu.memory_space<vmem>>
        %parallel_loop3A_524 = arith.index_cast %parallel_loop3A_520 : i32 to index
        %parallel_loop3A_525 = tpu.vector_load %parallel_loop3A_523[%parallel_loop3A_524] {strides = array<i32>} : memref<51200xf32, #tpu.memory_space<vmem>>, vector<16xf32>,
        tpu.vector_store %parallel_loop3A_523[%parallel_loop3A_524], %parallel_loop3A_301 {strides = array<i32>} : memref<51200xf32, #tpu.memory_space<vmem>>, vector<16xf32>,
      } {sc.loop_unroll_factor = 1 : i64, sc.parallel_access}
      %mul3A_140 = arith.constant 32 : i32
      %mul3A_141 = arith.muli %add3A_117, %mul3A_140 : i32
      %dma_start3A_142 = arith.constant 1 : i32
      %dma_start3A_143 = arith.constant 1 : i32
      %dma_start3A_144 = arith.constant 0 : i32
      %dma_start3A_145 = tpu.memref_slice %arg7[%dma_start3A_142, %dma_start3A_144] : memref<2x51200xf32, #tpu.memory_space<vmem>> -> memref<1x51200xf32, #tpu.memory_space<vmem>>
      %dma_start3A_146 = tpu.memref_squeeze %dma_start3A_145 : memref<1x51200xf32, #tpu.memory_space<vmem>> -> memref<51200xf32, #tpu.memory_space<vmem>>
      %dma_start3A_147 = tpu.memref_slice %arg4[%mul3A_141] : memref<26214400xf32, #tpu.memory_space<hbm>> -> memref<51200xf32, #tpu.memory_space<hbm>>
      %dma_start3A_148 = tpu.memref_slice %arg9[%dma_start3A_143] : memref<2x!tpu.dma_semaphore, #tpu.memory_space<semaphore_mem>> -> memref<1x!tpu.dma_semaphore, #tpu.memory_space<semaphore_mem>>
      %dma_start3A_149 = tpu.memref_squeeze %dma_start3A_148 : memref<1x!tpu.dma_semaphore, #tpu.memory_space<semaphore_mem>> -> memref<!tpu.dma_semaphore, #tpu.memory_space<semaphore_mem>>
      %dma_start3A_150 = tpu.memref_slice %arg4[%mul3A_141] : memref<26214400xf32, #tpu.memory_space<hbm>> -> memref<51200xf32, #tpu.memory_space<hbm>>
      %dma_start3A_151 = arith.constant 0 : i32
      %dma_start3A_152 = tpu.memref_slice %arg7[%dma_start3A_142, %dma_start3A_151] : memref<2x51200xf32, #tpu.memory_space<vmem>> -> memref<1x51200xf32, #tpu.memory_space<vmem>>
      %dma_start3A_153 = tpu.memref_squeeze %dma_start3A_152 : memref<1x51200xf32, #tpu.memory_space<vmem>> -> memref<51200xf32, #tpu.memory_space<vmem>>
      tpu.enqueue_dma source(%dma_start3A_153 : memref<51200xf32, #tpu.memory_space<vmem>>) target(%dma_start3A_150 : memref<51200xf32, #tpu.memory_space<hbm>>) target_semaphore(%dma_start3A_149 : memref<!tpu.dma_semaphore, #tpu.memory_space<semaphore_mem>>)
      %add3A_154 = arith.constant 2 : i32
      %add3A_155 = arith.addi %add3A_114, %add3A_154 : i32
      %lt3A_156 = arith.constant 16 : i32
      %lt3A_157 = arith.cmpi slt, %add3A_155, %lt3A_156 : i32
      %convert_element_type3A_158 = arith.extui %lt3A_157 : i1 to i32
      %cond3A_159 = arith.constant 0 : i32
      %cond3A_160 = arith.cmpi ne, %convert_element_type3A_158, %cond3A_159 : i32
      scf.if %cond3A_160 {
        %add3A_161 = arith.constant 3200 : i32
        %add3A_162 = arith.addi %add3A_117, %add3A_161 : i32
        %dma_start3A_163 = arith.constant 1 : i32
        %dma_start3A_164 = arith.constant 1 : i32
        %dma_start3A_165 = arith.constant 0 : i32
        %dma_start3A_166 = tpu.memref_slice %arg6[%dma_start3A_163, %dma_start3A_165] : memref<2x1600xi32, #tpu.memory_space<vmem>> -> memref<1x1600xi32, #tpu.memory_space<vmem>>
        %dma_start3A_167 = tpu.memref_squeeze %dma_start3A_166 : memref<1x1600xi32, #tpu.memory_space<vmem>> -> memref<1600xi32, #tpu.memory_space<vmem>>
        %dma_start3A_168 = tpu.memref_slice %arg2[%add3A_162] : memref<819200xi32, #tpu.memory_space<hbm>> -> memref<1600xi32, #tpu.memory_space<hbm>>
        %dma_start3A_169 = tpu.memref_slice %arg8[%dma_start3A_164] : memref<2x!tpu.dma_semaphore, #tpu.memory_space<semaphore_mem>> -> memref<1x!tpu.dma_semaphore, #tpu.memory_space<semaphore_mem>>
        %dma_start3A_170 = tpu.memref_squeeze %dma_start3A_169 : memref<1x!tpu.dma_semaphore, #tpu.memory_space<semaphore_mem>> -> memref<!tpu.dma_semaphore, #tpu.memory_space<semaphore_mem>>
        %dma_start3A_171 = arith.constant 0 : i32
        %dma_start3A_172 = tpu.memref_slice %arg6[%dma_start3A_163, %dma_start3A_171] : memref<2x1600xi32, #tpu.memory_space<vmem>> -> memref<1x1600xi32, #tpu.memory_space<vmem>>
        %dma_start3A_173 = tpu.memref_squeeze %dma_start3A_172 : memref<1x1600xi32, #tpu.memory_space<vmem>> -> memref<1600xi32, #tpu.memory_space<vmem>>
        %dma_start3A_174 = tpu.memref_slice %arg2[%add3A_162] : memref<819200xi32, #tpu.memory_space<hbm>> -> memref<1600xi32, #tpu.memory_space<hbm>>
        tpu.enqueue_dma source(%dma_start3A_174 : memref<1600xi32, #tpu.memory_space<hbm>>) target(%dma_start3A_173 : memref<1600xi32, #tpu.memory_space<vmem>>) target_semaphore(%dma_start3A_170 : memref<!tpu.dma_semaphore, #tpu.memory_space<semaphore_mem>>)
      } else {
      }
    }
    %scan3A_33 = arith.constant 8 : i32
    %add3A_34 = arith.constant 22400 : i32
    %add3A_35 = arith.addi %mul3A_2, %add3A_34 : i32
    %mul3A_36 = arith.constant 32 : i32
    %mul3A_37 = arith.muli %add3A_35, %mul3A_36 : i32
    %dma_wait3A = arith.constant 0 : i32
    %dma_wait3A_38 = arith.constant 0 : i32
    %dma_wait3A_39 = arith.constant 0 : i32
    %dma_wait3A_40 = tpu.memref_slice %arg7[%dma_wait3A, %dma_wait3A_39] : memref<2x51200xf32, #tpu.memory_space<vmem>> -> memref<1x51200xf32, #tpu.memory_space<vmem>>
    %dma_wait3A_41 = tpu.memref_squeeze %dma_wait3A_40 : memref<1x51200xf32, #tpu.memory_space<vmem>> -> memref<51200xf32, #tpu.memory_space<vmem>>
    %dma_wait3A_42 = tpu.memref_slice %arg4[%mul3A_37] : memref<26214400xf32, #tpu.memory_space<hbm>> -> memref<51200xf32, #tpu.memory_space<hbm>>
    %dma_wait3A_43 = tpu.memref_slice %arg9[%dma_wait3A_38] : memref<2x!tpu.dma_semaphore, #tpu.memory_space<semaphore_mem>> -> memref<1x!tpu.dma_semaphore, #tpu.memory_space<semaphore_mem>>
    %dma_wait3A_44 = tpu.memref_squeeze %dma_wait3A_43 : memref<1x!tpu.dma_semaphore, #tpu.memory_space<semaphore_mem>> -> memref<!tpu.dma_semaphore, #tpu.memory_space<semaphore_mem>>
    %dma_wait3A_45 = tpu.memref_slice %arg4[%mul3A_37] : memref<26214400xf32, #tpu.memory_space<hbm>> -> memref<51200xf32, #tpu.memory_space<hbm>>
    %dma_wait3A_46 = arith.constant 0 : i32
    %dma_wait3A_47 = tpu.memref_slice %arg7[%dma_wait3A, %dma_wait3A_46] : memref<2x51200xf32, #tpu.memory_space<vmem>> -> memref<1x51200xf32, #tpu.memory_space<vmem>>
    %dma_wait3A_48 = tpu.memref_squeeze %dma_wait3A_47 : memref<1x51200xf32, #tpu.memory_space<vmem>> -> memref<51200xf32, #tpu.memory_space<vmem>>
    tpu.wait_dma2 semaphore(%dma_wait3A_44 : memref<!tpu.dma_semaphore, #tpu.memory_space<semaphore_mem>>) src(%dma_wait3A_48 : memref<51200xf32, #tpu.memory_space<vmem>>) dst(%dma_wait3A_45 : memref<51200xf32, #tpu.memory_space<hbm>>)
    %add3A_49 = arith.constant 24000 : i32
    %add3A_50 = arith.addi %mul3A_2, %add3A_49 : i32
    %mul3A_51 = arith.constant 32 : i32
    %mul3A_52 = arith.muli %add3A_50, %mul3A_51 : i32
    %dma_wait3A_53 = arith.constant 1 : i32
    %dma_wait3A_54 = arith.constant 1 : i32
    %dma_wait3A_55 = arith.constant 0 : i32
    %dma_wait3A_56 = tpu.memref_slice %arg7[%dma_wait3A_53, %dma_wait3A_55] : memref<2x51200xf32, #tpu.memory_space<vmem>> -> memref<1x51200xf32, #tpu.memory_space<vmem>>
    %dma_wait3A_57 = tpu.memref_squeeze %dma_wait3A_56 : memref<1x51200xf32, #tpu.memory_space<vmem>> -> memref<51200xf32, #tpu.memory_space<vmem>>
    %dma_wait3A_58 = tpu.memref_slice %arg4[%mul3A_52] : memref<26214400xf32, #tpu.memory_space<hbm>> -> memref<51200xf32, #tpu.memory_space<hbm>>
    %dma_wait3A_59 = tpu.memref_slice %arg9[%dma_wait3A_54] : memref<2x!tpu.dma_semaphore, #tpu.memory_space<semaphore_mem>> -> memref<1x!tpu.dma_semaphore, #tpu.memory_space<semaphore_mem>>
    %dma_wait3A_60 = tpu.memref_squeeze %dma_wait3A_59 : memref<1x!tpu.dma_semaphore, #tpu.memory_space<semaphore_mem>> -> memref<!tpu.dma_semaphore, #tpu.memory_space<semaphore_mem>>
    %dma_wait3A_61 = tpu.memref_slice %arg4[%mul3A_52] : memref<26214400xf32, #tpu.memory_space<hbm>> -> memref<51200xf32, #tpu.memory_space<hbm>>
    %dma_wait3A_62 = arith.constant 0 : i32
    %dma_wait3A_63 = tpu.memref_slice %arg7[%dma_wait3A_53, %dma_wait3A_62] : memref<2x51200xf32, #tpu.memory_space<vmem>> -> memref<1x51200xf32, #tpu.memory_space<vmem>>
    %dma_wait3A_64 = tpu.memref_squeeze %dma_wait3A_63 : memref<1x51200xf32, #tpu.memory_space<vmem>> -> memref<51200xf32, #tpu.memory_space<vmem>>
    tpu.wait_dma2 semaphore(%dma_wait3A_60 : memref<!tpu.dma_semaphore, #tpu.memory_space<semaphore_mem>>) src(%dma_wait3A_64 : memref<51200xf32, #tpu.memory_space<vmem>>) dst(%dma_wait3A_61 : memref<51200xf32, #tpu.memory_space<hbm>>)
    return
  }
}

</mosaic_0001>

<sc_bundles>
// kernel: kernel.3.cloned.1.call-start
scs
__scs_entry_jumppad:
0x0: {  	(pc) =	sbr.rel $0x88, $3  }
0x1: {  	(tag) =	ssettag $0x0;
	lr =	simm.s32 $0x1  }
0x2: {  	[smem:$0x3F9F] =	sst lr;
	_ =	strace $0xD0000000  }
0x3: {  	_ = 	snop  }
0x4: {  	_ = 	snop  }
0x5: {  	_ = 	snop  }
0x6: {  	_ = 	snop  }
0x7: {  	_ = 	snop  }
__scs_overlays_trampoline_lowered:
0x8: {  	[smem:$0x3FAE] =	sst s0  }
0x9: {  	[smem:$0x3FAF] =	sst s1  }
0xa: {  	[smem:$0x3FB0] =	sst s2  }
0xb: {  	[smem:$0x3FB1] =	sst s3  }
0xc: {  	[smem:$0x3FB2] =	sst s4  }
0xd: {  	[smem:$0x3FB3] =	sst s5  }
0xe: {  	[smem:$0x3FB4] =	sst s6  }
0xf: {  	[smem:$0x3FB5] =	sst s7  }
0x10: {  	[smem:$0x3FB6] =	sst s8  }
0x11: {  	[smem:$0x3FB7] =	sst s9;
	s0 =	simm.s32 @!p0 $0x0  }
0x12: {  	s1 =	sld [smem:$0x3F9D];
	s0 =	simm.s32 @p0 $0x1  }
0x13: {  	[smem:$0x3FB8] =	sst s0;
	s0 =	simm.s32 @!p1 $0x0  }
0x14: {  	s2 =	sld [smem:$0x3F9C];
	s0 =	simm.s32 @p1 $0x1  }
0x15: {  	[smem:$0x3FB9] =	sst s0;
	s0 =	simm.s32 @!p2 $0x0  }
0x16: {  	s3 =	sld [smem:$0x3FDB];
	s0 =	simm.s32 @p2 $0x1  }
0x17: {  	s4 =	simm.s32 $0x1BF5;
	[smem:$0x3FBB] =	sst s0  }
0x18: {  	s0 =	sld [smem:$0x3F9E];
	_ =	swait.ge [sflag:s4], $0x0  }
0x19: {  	s7 =	sld [smem:$0x3F9F]  }
0x1a: {  	s8 =	sadd.s32 $0xFFFFE003, lr  }
0x1b: {  	s9 =	sadd.s32 $0xFFFFFEF7, lr;
	s5 =	simm.s32 $0xFFFFFFFF;
	p2 =	slt.u32 s8, $0xFFFFF086  }
0x1c: {  	p1 =	slt.u32 s9, $0xF7A;
	s5 =	simm.s32 @!p2 $0x0  }
0x1d: {  	s5 =	simm.s32 @p1 $0x1;
	p0 =	seq.s32 s7, s2  }
0x1e: {  	s7 =	smul.u32 @!p0 $0xF7A, s2;
	p2 =	seq.s32 @!p0 s5, $0x0  }
0x1f: {  	s9 =	smul.u32 $0xF7A, s1;
	s8 =	simm.s32 @!p0 $0x1BF5;
	p2 =	por !p2, p0  }
0x20: {  	[sflag:s8] =	ssyncset.s32 @!p0 $0xFFFFF086;
	s6 =	sadd.s32 @!p0 s3, s7;
	s7 =	simm.s32 @!p0 $0x108  }
0x21: {  	s3 =	sadd.s32 s3, s9;
	s6 =	sadd.s32 @!p0 $0x88, s6;
	s7 =	simm.s32 @p2 $0x1082  }
0x22: {  	[simem:s7], [sflag:s8] =	dma.local @!p0 [hbm:s6], $0xF7A  }
0x23: {  	s9 =	sor.u32 $0xD0000000, s2;
	s6 =	simm.s32 $0x108;
	_ =	swait.ge @!p0 [sflag:s8], $0x0  }
0x24: {  	s3 =	sadd.s32 $0x88, s3;
	s6 =	simm.s32 @!p1 $0x1082;
	[sflag:s4] =	ssyncset.s32 $0xFFFFF086  }
0x25: {  	[simem:s6], [sflag:s4] =	dma.local [hbm:s3], $0xF7A  }
0x26: {  	[smem:$0x3F9F] =	sst s1;
	(tag) =	ssettag s2;
	_ =	strace s9  }
0x27: {  	s1 =	sld [smem:$0x3FAF]  }
0x28: {  	s2 =	sld [smem:$0x3FB0]  }
0x29: {  	s4 =	sld [smem:$0x3FB2]  }
0x2a: {  	p0 =	seq.s32 s5, $0x0;
	s5 =	sld [smem:$0x3FB3]  }
0x2b: {  	s6 =	sld [smem:$0x3FB4]  }
0x2c: {  	s7 =	sld [smem:$0x3FB5]  }
0x2d: {  	s3 =	simm.s32 $0x108;
	s8 =	sld [smem:$0x3FB6]  }
0x2e: {  	s3 =	simm.s32 @!p0 $0x1082;
	s9 =	sld [smem:$0x3FB7]  }
0x2f: {  	lr =	sadd.s32 s0, s3;
	s0 =	sld [smem:$0x3FAE]  }
0x30: {  	s3 =	sld [smem:$0x3FB1]  }
0x31: {  	[smem:$0x3FBA] =	sst s10  }
0x32: {  	s10 =	sld [smem:$0x3FB8];
	_ =	sdelay $0x3  }
0x33: {  	p0 =	seq.s32 s10, $0x1;
	s10 =	sld [smem:$0x3FBA];
	_ =	sdelay $0x3  }
0x34: {  	[smem:$0x3FBA] =	sst s10  }
0x35: {  	s10 =	sld [smem:$0x3FB9];
	_ =	sdelay $0x3  }
0x36: {  	p1 =	seq.s32 s10, $0x1;
	s10 =	sld [smem:$0x3FBA];
	_ =	sdelay $0x3  }
0x37: {  	[smem:$0x3FBA] =	sst s10  }
0x38: {  	s10 =	sld [smem:$0x3FBB]  }
0x39: {  	_ = 	snop;
	(pc) =	sbr.ind lr, $3  }
0x3a: {  	_ = 	snop  }
0x3b: {  	_ = 	snop  }
0x3c: {  	p2 =	seq.s32 s10, $0x1;
	s10 =	sld [smem:$0x3FBA]  }
0x3d: {  	_ =	shalt  }
0x3e: {  	_ =	shalt  }
0x3f: {  	_ =	shalt  }
0x40: {  	_ =	shalt  }
0x41: {  	_ =	shalt  }
0x42: {  	_ =	shalt  }
0x43: {  	_ =	shalt  }
0x44: {  	_ =	shalt  }
0x45: {  	_ =	shalt  }
0x46: {  	_ =	shalt  }
0x47: {  	_ =	shalt  }
0x48: {  	_ =	shalt  }
0x49: {  	_ =	shalt  }
0x4a: {  	_ =	shalt  }
0x4b: {  	_ =	shalt  }
0x4c: {  	_ =	shalt  }
0x4d: {  	_ =	shalt  }
0x4e: {  	_ =	shalt  }
0x4f: {  	_ =	shalt  }
0x50: {  	_ =	shalt  }
0x51: {  	_ =	shalt  }
0x52: {  	_ =	shalt  }
0x53: {  	_ =	shalt  }
0x54: {  	_ =	shalt  }
0x55: {  	_ =	shalt  }
0x56: {  	_ =	shalt  }
0x57: {  	_ =	shalt  }
0x58: {  	_ =	shalt  }
0x59: {  	_ =	shalt  }
0x5a: {  	_ =	shalt  }
0x5b: {  	_ =	shalt  }
0x5c: {  	_ =	shalt  }
0x5d: {  	_ =	shalt  }
0x5e: {  	_ =	shalt  }
0x5f: {  	_ =	shalt  }
0x60: {  	_ =	shalt  }
0x61: {  	_ =	shalt  }
0x62: {  	_ =	shalt  }
0x63: {  	_ =	shalt  }
0x64: {  	_ =	shalt  }
0x65: {  	_ =	shalt  }
0x66: {  	_ =	shalt  }
0x67: {  	_ =	shalt  }
0x68: {  	_ =	shalt  }
0x69: {  	_ =	shalt  }
0x6a: {  	_ =	shalt  }
0x6b: {  	_ =	shalt  }
0x6c: {  	_ =	shalt  }
0x6d: {  	_ =	shalt  }
0x6e: {  	_ =	shalt  }
0x6f: {  	_ =	shalt  }
0x70: {  	_ =	shalt  }
0x71: {  	_ =	shalt  }
0x72: {  	_ =	shalt  }
0x73: {  	_ =	shalt  }
0x74: {  	_ =	shalt  }
0x75: {  	_ =	shalt  }
0x76: {  	_ =	shalt  }
0x77: {  	_ =	shalt  }
0x78: {  	_ =	shalt  }
0x79: {  	_ =	shalt  }
0x7a: {  	_ =	shalt  }
0x7b: {  	_ =	shalt  }
0x7c: {  	_ =	shalt  }
0x7d: {  	_ =	shalt  }
0x7e: {  	_ =	shalt  }
0x7f: {  	_ =	shalt  }
0x80: {  	_ =	shalt  }
0x81: {  	_ =	shalt  }
0x82: {  	_ =	shalt  }
0x83: {  	_ =	shalt  }
0x84: {  	_ =	shalt  }
0x85: {  	_ =	shalt  }
0x86: {  	_ =	shalt  }
0x87: {  	_ =	shalt  }
.Lfunc_end0:
.L_simem_size_0:
called_computation.1_lowered:
.L_overlay_start_0:
0x88: {  	s2 =	sld [smem:$0x3FD9]  }
0x89: {  	s3 =	sld [smem:$0x3FFE];
	_ =	sdelay $0x1  }
0x8a: {  	s1 =	srdreg.scid  }
0x8b: {  	s0 =	sand.u32 $0x1, s1  }
0x8c: {  	s17 =	sshll.u32 s0, $0xA;
	s2 =	sadd.s32 s3, s2  }
0x8d: {  	s2 =	sadd.s32 s2, s17  }
0x8e: {  	[smem:$0x3FC6] =	sst s2  }
0x8f: {  	_ = 	snop  }
0x90: {  	s2 =	sld [smem:$0x3FD0];
	(tm) =	ssettm $0x1  }
0x91: {  	s18 =	sld [smem:$0x3FFB];
	_ =	sdelay $0x3  }
0x92: {  	_ =	strace s18  }
0x93: {  	s3 =	sld [smem:$0x3FFC];
	_ =	sdelay $0x3  }
0x94: {  	_ =	strace s3  }
0x95: {  	s3 =	sld [smem:$0x3FFD];
	_ =	sdelay $0x3  }
0x96: {  	_ =	strace s3  }
0x97: {  	_ =	strace $0x8FFFFFFF  }
0x98: {  	s19 =	sld [smem:$0x3FDB];
	_ =	sdelay $0x1  }
0x99: {  	s4 =	simm.s32 $_scs_section_size  }
0x9a: {  	s5 =	simm.s32 $_size__tile_overlayer_lowered;
	s6 =	simm.s32 $_tile_overlayer_lowered  }
0x9b: {  	s22 =	simm.s32 $0x1BFF;
	s21 =	sshll.u32 s6, $0x1;
	s3 =	sadd.s32 s4, s19  }
0x9c: {  	s7 =	simm.s32 $0x0;
	s20 =	sshll.u32 s5, $0x1;
	s5 =	sadd.s32 s21, s3  }
0x9d: {  	[timem:s7], [sflag:s22] =	dma.local [hbm:s5], s20  }
0x9e: {  	_ =	swait.ge [sflag:s22], s20  }
0x9f: {  	s4 =	ssub.s32 $0x0, s20;
	[sflag:s22] =	ssyncset.done $0x0  }
0xa0: {  	[sflag:s22] =	ssyncadd.s32 s4;
	_ =	sdelay $0x1  }
0xa1: {  	s23 =	simm.s32 $0x1B8B  }
0xa2: {  	_ =	swait.ge [sflag:s23], $0x1  }
0xa3: {  	[sflag:s23] =	ssyncset.done $0x0  }
0xa4: {  	s25 =	simm.s32 $0x1B8E;
	s24 =	sld [smem:$0x3FFE];
	[sflag:s23] =	ssyncadd.s32 $0xFFFFFFFF  }
0xa5: {  	s26 =	simm.s32 $execute0_lowered;
	[smem:$0x3FD2] =	sst s25  }
0xa6: {  	s5 =	sshll.u32 s26, $0x1;
	_ =	strace $0x80000046;
	[dreg:$0x1] =	wrdreg $0xFFFFFFFF  }
0xa7: {  	s28 =	simm.s32 $_size_execute0_lowered;
	s3 =	sadd.s32 s3, s5;
	[dreg:$0x0] =	wrdreg $0x0  }
0xa8: {  	s5 =	sshll.u32 s28, $0x1;
	[dreg:$0x2] =	wrdreg s3  }
0xa9: {  	[dreg:$0x3] =	wrdreg s5  }
0xaa: {  	[dreg:$0x4] =	wrdreg $0xC0  }
0xab: {  	_ =	task [dreg:s7], $0x5FFFF  }
0xac: {  	[dreg:$0x1] =	wrdreg $0xFFFFFFFF  }
0xad: {  	[dreg:$0x0] =	wrdreg $0x60  }
0xae: {  	[dreg:$0x2] =	wrdreg s24  }
0xaf: {  	[dreg:$0x3] =	wrdreg s2  }
0xb0: {  	[dreg:$0x4] =	wrdreg $0x9  }
0xb1: {  	_ =	task.clear_ibuf [dreg:s7], $0x5FFFF;
	_ =	strace $0x90000046  }
0xb2: {  	s29 =	simm.s32 $0x9;
	_ =	strace $0x80000048  }
0xb3: {  	_ =	swait.ge [sflag:s29], $0x1  }
0xb4: {  	[sflag:s29] =	ssyncadd.s32 $0xFFFFFFFF  }
0xb5: {  	_ =	strace $0x90000048  }
0xb6: {  	_ =	sfence  }
0xb7: {  	s30 =	sld [smem:$0x0];
	_ =	sdelay $0x2  }
0xb8: {  	s31 =	sshll.u32 s1, $0xD;
	s1 =	sshrl.u32 s1, $0x2  }
0xb9: {  	s3 =	sand.u32 $0x4000, s31;
	s1 =	sadd.s32 s1, s30  }
0xba: {  	s0 =	sor.u32 s3, s0;
	s1 =	sshll.u32 s1, $0x11  }
0xbb: {  	s0 =	sor.u32 s1, s0  }
0xbc: {  	s0 =	sadd.s32 $0x8F2B, s0  }
0xbd: {  	[sflag:s0] =	ssyncadd.remote.s32 $0x1  }
0xbe: {  	_ =	sfence.sel $0xFFFF  }
0xbf: {  	[dreg:$0x0] =	wrdreg $0xFFFFFFFF;
	(pc) =	sbr.abs _section_cstart, $3  }
0xc0: {  	[dreg:$0x1] =	wrdreg $0xFFFFFFFF  }
0xc1: {  	_ =	task.clear_ibuf [dreg:s7], $0x2FFFF;
	_ =	strace $0x9FFFFFFF  }
0xc2: {  	(tm) =	ssettm $0x7FFFFFFF  }
0xc3: {  	_ =	shalt  }
tec
execute0_lowered:
.L_overlay_start_1:
0x0: {  	(tag) =	ssettag $0x1  }
0x1: {  	s6 =	rddreg [dreg:$0x0]  }
0x2: {  	s2 =	rddreg [dreg:$0x1]  }
0x3: {  	s0 =	rddreg [dreg:$0x2];
	s4 =	srdreg.scid  }
0x4: {  	s1 =	stileid.u32;
	s3 =	simm.s32 $0x0;
	s12 =	simm.s32 $0x2000  }
0x5: {  	s13 =	simm.s32 $0x2640;
	s14 =	simm.s32 $0x1;
	s15 =	simm.s32 $0x2C80  }
0x6: {  	s16 =	simm.s32 $0x2;
	s7 =	sand.u32 $0x1, s4;
	s30 =	sshll.u32 s1, $0x1  }
0x7: {  	s17 =	simm.s32 $0xF480;
	s18 =	simm.s32 $0x3;
	s4 =	sor.u32 s7, s30  }
0x8: {  	s19 =	simm.s32 $0x4;
	s20 =	simm.s32 $0x0;
	s4 =	smul.u32 $0x6400, s4  }
.Ltmp0:
0x9: {  	[smem:$0x7FF] =	sst s3;
	s5 =	sadd.s32 $0xC00, s6;
	(pc) =	sbr.rel .LBB2_1-.Ltmp0, $4  }
0xa: {  	s6 =	sadd.s32 $0x800, s6;
	_ =	strace $0x80000047;
	s8 =	ssub.s32 $0x2, s7  }
0xb: {  	s9 =	sshrl.u32 s8, $0x1;
	s10 =	sshrl.u32 s4, $0x3;
	s7 =	sadd.s32 $0x640, s4  }
0xc: {  	s11 =	ssub.s32 s8, s9;
	s8 =	sadd.s32 s5, s10;
	s31 =	sshrl.u32 s7, $0x3  }
0xd: {  	s10 =	smax.u32 s11, $0x1;
	s11 =	simm.s32 $0x5;
	s9 =	sadd.s32 s5, s31  }
.LBB2_8:
0xe: {  	s20 =	sadd.s32 $0x1, s20  }
0xf: {  	_ =	swait.ge [sflag:s18], $0xC800;
	p0 =	sne.s32 s20, s10  }
.Ltmp1:
0x10: {  	[sflag:s18] =	ssyncset.done $0x0;
	(pc) =	sbr.rel @!p0 .LBB2_9-.Ltmp1, $4  }
0x11: {  	[sflag:s18] =	ssyncadd.s32 $0xFFFF3800  }
0x12: {  	_ =	swait.ge [sflag:s19], $0xC800  }
0x13: {  	[sflag:s19] =	ssyncset.done $0x0  }
0x14: {  	[sflag:s19] =	ssyncadd.s32 $0xFFFF3800  }
.LBB2_1:
0x15: {  	[tilespmem:s3], [sflag:$0x5] =	stream.linear.gather [hbm4b:s6+s3], $0x2000, $0x38;
	[tilespmem:$0x1BC80] =	vst v63  }
0x16: {  	_ =	swait.ge [sflag:s11], $0x2000  }
0x17: {  	[sflag:s11] =	ssyncset.done $0x0  }
0x18: {  	[sflag:s11] =	ssyncadd.s32 $0xFFFFE000  }
0x19: {  	[tilespmem:s12], [sflag:$0x1] =	stream.linear.gather [hbm4b:s8+s3], $0x640, $0x38;
	[tilespmem:$0x1BC80] =	vst v63  }
0x1a: {  	s21 =	simm.s32 $0x0  }
0x1b: {  	[tilespmem:s13], [sflag:$0x2] =	stream.linear.gather [hbm4b:s9+s3], $0x640, $0x38;
	[tilespmem:$0x1BC80] =	vst v63  }
.LBB2_2:
0x1c: {  	_ =	swait.ge [sflag:s14], $0x640  }
0x1d: {  	p0 =	seq.s32 s21, $0x0;
	[sflag:s14] =	ssyncset.done $0x0  }
0x1e: {  	s22 =	simm.s32 @!p0 $0x3;
	[sflag:s14] =	ssyncadd.s32 $0xFFFFF9C0  }
0x1f: {  	_ =	swait.ge @!p0 [sflag:s22], $0xC800  }
0x20: {  	[sflag:s22] =	ssyncset.done @!p0 $0x0  }
0x21: {  	s31 =	simm.s32 $0x0;
	[sflag:s22] =	ssyncadd.s32 @!p0 $0xFFFF3800  }
0x22: {  	v0 =	vld [tilespmem:s31+$0x2000];
	_ =	sdelay $0x4  }
0x23: {  	v0 =	vshll.u32 v0, $0x5  }
0x24: {  	(v2sf) =	vpush v0, $0x0;
	_ =	sdelay $0x1  }
0x25: {  	(v2sf) =	vpush v0, $0x1;
	_ =	sdelay $0x1  }
0x26: {  	(v2sf) =	vpush v0, $0x2;
	_ =	sdelay $0x1  }
0x27: {  	(v2sf) =	vpush v0, $0x3;
	_ =	sdelay $0x1  }
0x28: {  	(v2sf) =	vpush v0, $0x4;
	_ =	sdelay $0x1  }
0x29: {  	(v2sf) =	vpush v0, $0x5;
	_ =	sdelay $0x1  }
0x2a: {  	(v2sf) =	vpush v0, $0x6;
	_ =	sdelay $0x1  }
0x2b: {  	(v2sf) =	vpush v0, $0x7  }
0x2c: {  	s23 =	spop (v2sf)  }
0x2d: {  	(v2sf) =	vpush v0, $0x8;
	v5 =	vld [tilespmem:s23+$0x0]  }
0x2e: {  	v6 =	vld [tilespmem:s23+$0x10];
	s24 =	spop (v2sf)  }
0x2f: {  	(v2sf) =	vpush v0, $0x9;
	v7 =	vld [tilespmem:s24+$0x0]  }
0x30: {  	v8 =	vld [tilespmem:s24+$0x10];
	s25 =	spop (v2sf)  }
0x31: {  	(v2sf) =	vpush v0, $0xA;
	v9 =	vld [tilespmem:s25+$0x0]  }
0x32: {  	v10 =	vld [tilespmem:s25+$0x10];
	s26 =	spop (v2sf)  }
0x33: {  	(v2sf) =	vpush v0, $0xB;
	v11 =	vld [tilespmem:s26+$0x0]  }
0x34: {  	v12 =	vld [tilespmem:s26+$0x10];
	s28 =	spop (v2sf)  }
0x35: {  	(v2sf) =	vpush v0, $0xC;
	v13 =	vld [tilespmem:s28+$0x0]  }
0x36: {  	v14 =	vld [tilespmem:s28+$0x10];
	s29 =	spop (v2sf)  }
0x37: {  	(v2sf) =	vpush v0, $0xF;
	v15 =	vld [tilespmem:s29+$0x0]  }
0x38: {  	v16 =	vld [tilespmem:s29+$0x10];
	s30 =	spop (v2sf)  }
0x39: {  	(v2sf) =	vpush v0, $0xD;
	v17 =	vld [tilespmem:s30+$0x0]  }
0x3a: {  	v18 =	vld [tilespmem:s30+$0x10];
	s31 =	spop (v2sf)  }
0x3b: {  	(v2sf) =	vpush v0, $0xE;
	v19 =	vld [tilespmem:s31+$0x0]  }
0x3c: {  	v20 =	vld [tilespmem:s31+$0x10];
	s23 =	spop (v2sf)  }
0x3d: {  	v21 =	vld [tilespmem:s23+$0x0]  }
0x3e: {  	v22 =	vld [tilespmem:s23+$0x10];
	s24 =	spop (v2sf)  }
0x3f: {  	v23 =	vld [tilespmem:s24+$0x0]  }
0x40: {  	v24 =	vld [tilespmem:s24+$0x10];
	s25 =	spop (v2sf)  }
0x41: {  	v25 =	vld [tilespmem:s25+$0x0]  }
0x42: {  	v26 =	vld [tilespmem:s25+$0x10];
	s26 =	spop (v2sf)  }
0x43: {  	v27 =	vld [tilespmem:s26+$0x0]  }
0x44: {  	v28 =	vld [tilespmem:s26+$0x10];
	s28 =	spop (v2sf)  }
0x45: {  	v29 =	vld [tilespmem:s28+$0x0]  }
0x46: {  	v30 =	vld [tilespmem:s28+$0x10];
	s29 =	spop (v2sf)  }
0x47: {  	v31 =	vld [tilespmem:s29+$0x10]  }
0x48: {  	s23 =	spop (v2sf);
	v1 =	vld [tilespmem:s29+$0x0]  }
0x49: {  	v4 =	vld [tilespmem:s23+$0x0]  }
0x4a: {  	v3 =	vld [tilespmem:s23+$0x10];
	s30 =	spop (v2sf)  }
0x4b: {  	s23 =	simm.s32 $0x2D80;
	v2 =	vld [tilespmem:s30+$0x0]  }
0x4c: {  	s31 =	simm.s32 $0x10;
	v0 =	vld [tilespmem:s30+$0x10];
	[tilespmem:s23+$0xFFFFFF00] =	vst v5  }
0x4d: {  	v63 =	vld [tilespmem:s31+$0x2000];
	[tilespmem:s23+$0xFFFFFF10] =	vst v6  }
0x4e: {  	[tilespmem:s23+$0xFFFFFF20] =	vst v7  }
0x4f: {  	[tilespmem:s23+$0xFFFFFF30] =	vst v8  }
0x50: {  	[tilespmem:s23+$0xFFFFFF40] =	vst v9  }
0x51: {  	[tilespmem:s23+$0xFFFFFF50] =	vst v10  }
0x52: {  	v8 =	vshll.u32 v63, $0x5;
	[tilespmem:s23+$0xFFFFFF60] =	vst v11  }
0x53: {  	[tilespmem:s23+$0xFFFFFF70] =	vst v12;
	(v2sf) =	vpush v8, $0x0  }
0x54: {  	[tilespmem:s23+$0xFFFFFF80] =	vst v13  }
0x55: {  	[tilespmem:s23+$0xFFFFFF90] =	vst v14;
	(v2sf) =	vpush v8, $0x1  }
0x56: {  	[tilespmem:s23+$0xFFFFFFA0] =	vst v15  }
0x57: {  	[tilespmem:s23+$0xFFFFFFB0] =	vst v16;
	(v2sf) =	vpush v8, $0x2  }
0x58: {  	[tilespmem:s23+$0xFFFFFFC0] =	vst v17  }
0x59: {  	[tilespmem:s23+$0xFFFFFFD0] =	vst v18;
	(v2sf) =	vpush v8, $0x3  }
0x5a: {  	[tilespmem:s23+$0xFFFFFFE0] =	vst v19  }
0x5b: {  	[tilespmem:s23+$0xFFFFFFF0] =	vst v20;
	(v2sf) =	vpush v8, $0x4  }
0x5c: {  	[tilespmem:s23+$0x0] =	vst v21  }
0x5d: {  	[tilespmem:s23+$0x10] =	vst v22;
	(v2sf) =	vpush v8, $0x5  }
0x5e: {  	[tilespmem:s23+$0x20] =	vst v23  }
0x5f: {  	[tilespmem:s23+$0x30] =	vst v24;
	(v2sf) =	vpush v8, $0x6  }
0x60: {  	[tilespmem:s23+$0x40] =	vst v25  }
0x61: {  	[tilespmem:s23+$0x50] =	vst v26;
	(v2sf) =	vpush v8, $0x7  }
0x62: {  	[tilespmem:s23+$0x60] =	vst v27;
	s24 =	spop (v2sf)  }
0x63: {  	[tilespmem:s23+$0x70] =	vst v28;
	(v2sf) =	vpush v8, $0x8;
	v5 =	vld [tilespmem:s24+$0x0]  }
0x64: {  	s22 =	smul.u32 $0xC80, s21;
	[tilespmem:s23+$0x80] =	vst v29;
	v6 =	vld [tilespmem:s24+$0x10];
	s25 =	spop (v2sf)  }
0x65: {  	[tilespmem:s23+$0x90] =	vst v30;
	(v2sf) =	vpush v8, $0x9;
	v7 =	vld [tilespmem:s25+$0x0]  }
0x66: {  	[tilespmem:s23+$0xF0] =	vst v31;
	s24 =	sadd.s32 s4, s22;
	v9 =	vld [tilespmem:s25+$0x10];
	s25 =	simm.s32 $0x80;
	s26 =	spop (v2sf)  }
.LBB2_3:
0x67: {  	p1 =	sne.s32 s25, $0x18C0;
	v10 =	vld [tilespmem:s26+$0x0];
	(v2sf) =	vpush v8, $0xA;
	[tilespmem:s23+$0xA0] =	vst v4  }
0x68: {  	v11 =	vld [tilespmem:s26+$0x10];
	s26 =	spop (v2sf);
	[tilespmem:s23+$0xB0] =	vst v3  }
0x69: {  	v12 =	vld [tilespmem:s26+$0x0];
	(v2sf) =	vpush v8, $0xB;
	[tilespmem:s23+$0xC0] =	vst v2  }
0x6a: {  	v13 =	vld [tilespmem:s26+$0x10];
	s26 =	spop (v2sf);
	[tilespmem:s23+$0xD0] =	vst v0  }
0x6b: {  	v14 =	vld [tilespmem:s26+$0x0];
	(v2sf) =	vpush v8, $0xC;
	[tilespmem:s23+$0xE0] =	vst v1  }
0x6c: {  	v15 =	vld [tilespmem:s26+$0x10];
	s26 =	spop (v2sf)  }
0x6d: {  	v16 =	vld [tilespmem:s26+$0x0];
	(v2sf) =	vpush v8, $0xF  }
0x6e: {  	v17 =	vld [tilespmem:s26+$0x10];
	s26 =	spop (v2sf);
	(v2sf) =	vpush v8, $0xD  }
0x6f: {  	v18 =	vld [tilespmem:s26+$0x0]  }
0x70: {  	v19 =	vld [tilespmem:s26+$0x10];
	s26 =	spop (v2sf);
	(v2sf) =	vpush v8, $0xE  }
0x71: {  	v20 =	vld [tilespmem:s26+$0x0]  }
0x72: {  	v21 =	vld [tilespmem:s26+$0x10];
	s26 =	spop (v2sf)  }
0x73: {  	v22 =	vld [tilespmem:s26+$0x0]  }
0x74: {  	v23 =	vld [tilespmem:s26+$0x10];
	s26 =	spop (v2sf)  }
0x75: {  	v24 =	vld [tilespmem:s26+$0x0]  }
0x76: {  	v25 =	vld [tilespmem:s26+$0x10];
	s26 =	spop (v2sf)  }
0x77: {  	v26 =	vld [tilespmem:s26+$0x0]  }
0x78: {  	v27 =	vld [tilespmem:s26+$0x10];
	s26 =	spop (v2sf)  }
0x79: {  	v28 =	vld [tilespmem:s26+$0x0]  }
0x7a: {  	v29 =	vld [tilespmem:s26+$0x10];
	s26 =	spop (v2sf)  }
0x7b: {  	v30 =	vld [tilespmem:s26+$0x0]  }
0x7c: {  	v31 =	vld [tilespmem:s26+$0x10];
	s26 =	spop (v2sf)  }
0x7d: {  	v8 =	vld [tilespmem:s26+$0x10];
	s28 =	spop (v2sf)  }
0x7e: {  	v4 =	vld [tilespmem:s28+$0x0]  }
0x7f: {  	v3 =	vld [tilespmem:s28+$0x10];
	s28 =	spop (v2sf)  }
0x80: {  	v2 =	vld [tilespmem:s28+$0x0]  }
0x81: {  	s23 =	sadd.s32 $0x200, s23;
	v0 =	vld [tilespmem:s28+$0x10]  }
0x82: {  	s28 =	sshra.s32 s25, $0x2;
	v1 =	vld [tilespmem:s26+$0x0];
	[tilespmem:s23+$0xF0] =	vst v8  }
0x83: {  	v8 =	vld [tilespmem:s28+$0x2000];
	[tilespmem:s23+$0xFFFFFF00] =	vst v5  }
0x84: {  	[tilespmem:s23+$0xFFFFFF10] =	vst v6  }
0x85: {  	[tilespmem:s23+$0xFFFFFF20] =	vst v7  }
0x86: {  	[tilespmem:s23+$0xFFFFFF30] =	vst v9  }
0x87: {  	[tilespmem:s23+$0xFFFFFF40] =	vst v10  }
0x88: {  	v8 =	vshll.u32 v8, $0x5;
	[tilespmem:s23+$0xFFFFFF50] =	vst v11  }
0x89: {  	(v2sf) =	vpush v8, $0x0;
	[tilespmem:s23+$0xFFFFFF60] =	vst v12  }
0x8a: {  	[tilespmem:s23+$0xFFFFFF70] =	vst v13  }
0x8b: {  	(v2sf) =	vpush v8, $0x1;
	[tilespmem:s23+$0xFFFFFF80] =	vst v14  }
0x8c: {  	[tilespmem:s23+$0xFFFFFF90] =	vst v15  }
0x8d: {  	(v2sf) =	vpush v8, $0x2;
	[tilespmem:s23+$0xFFFFFFA0] =	vst v16  }
0x8e: {  	[tilespmem:s23+$0xFFFFFFB0] =	vst v17  }
0x8f: {  	(v2sf) =	vpush v8, $0x3;
	[tilespmem:s23+$0xFFFFFFC0] =	vst v18  }
0x90: {  	[tilespmem:s23+$0xFFFFFFD0] =	vst v19  }
0x91: {  	(v2sf) =	vpush v8, $0x4;
	[tilespmem:s23+$0xFFFFFFE0] =	vst v20  }
0x92: {  	[tilespmem:s23+$0xFFFFFFF0] =	vst v21  }
0x93: {  	(v2sf) =	vpush v8, $0x5;
	[tilespmem:s23+$0x0] =	vst v22  }
0x94: {  	[tilespmem:s23+$0x10] =	vst v23  }
0x95: {  	(v2sf) =	vpush v8, $0x6;
	[tilespmem:s23+$0x20] =	vst v24  }
0x96: {  	[tilespmem:s23+$0x30] =	vst v25  }
0x97: {  	(v2sf) =	vpush v8, $0x7;
	[tilespmem:s23+$0x40] =	vst v26  }
.Ltmp2:
0x98: {  	s26 =	spop (v2sf);
	[tilespmem:s23+$0x50] =	vst v27;
	(pc) =	sbr.rel @p1 .LBB2_3-.Ltmp2, $4  }
0x99: {  	v5 =	vld [tilespmem:s26+$0x0];
	(v2sf) =	vpush v8, $0x8;
	[tilespmem:s23+$0x60] =	vst v28  }
0x9a: {  	v6 =	vld [tilespmem:s26+$0x10];
	s26 =	spop (v2sf);
	[tilespmem:s23+$0x70] =	vst v29  }
0x9b: {  	v7 =	vld [tilespmem:s26+$0x0];
	(v2sf) =	vpush v8, $0x9;
	[tilespmem:s23+$0x80] =	vst v30  }
0x9c: {  	s25 =	sadd.s32 $0x40, s25;
	v9 =	vld [tilespmem:s26+$0x10];
	s26 =	spop (v2sf);
	[tilespmem:s23+$0x90] =	vst v31  }
0x9d: {  	v10 =	vld [tilespmem:s26+$0x0];
	(v2sf) =	vpush v8, $0xA  }
0x9e: {  	v11 =	vld [tilespmem:s26+$0x10];
	s25 =	spop (v2sf)  }
0x9f: {  	(v2sf) =	vpush v8, $0xB;
	v12 =	vld [tilespmem:s25+$0x0]  }
0xa0: {  	v13 =	vld [tilespmem:s25+$0x10];
	s30 =	spop (v2sf)  }
0xa1: {  	(v2sf) =	vpush v8, $0xC;
	v14 =	vld [tilespmem:s30+$0x0]  }
0xa2: {  	v15 =	vld [tilespmem:s30+$0x10];
	s31 =	spop (v2sf)  }
0xa3: {  	(v2sf) =	vpush v8, $0xF;
	v16 =	vld [tilespmem:s31+$0x0]  }
0xa4: {  	v17 =	vld [tilespmem:s31+$0x10];
	s26 =	spop (v2sf)  }
0xa5: {  	(v2sf) =	vpush v8, $0xD;
	v18 =	vld [tilespmem:s26+$0x0]  }
0xa6: {  	v19 =	vld [tilespmem:s26+$0x10];
	s29 =	spop (v2sf)  }
0xa7: {  	(v2sf) =	vpush v8, $0xE;
	v8 =	vld [tilespmem:s29+$0x0]  }
0xa8: {  	v20 =	vld [tilespmem:s29+$0x10];
	s30 =	spop (v2sf)  }
0xa9: {  	v21 =	vld [tilespmem:s30+$0x0]  }
0xaa: {  	v22 =	vld [tilespmem:s30+$0x10];
	s31 =	spop (v2sf)  }
0xab: {  	v23 =	vld [tilespmem:s31+$0x0]  }
0xac: {  	v24 =	vld [tilespmem:s31+$0x10];
	s26 =	spop (v2sf)  }
0xad: {  	v25 =	vld [tilespmem:s26+$0x0]  }
0xae: {  	v26 =	vld [tilespmem:s26+$0x10];
	s29 =	spop (v2sf)  }
0xaf: {  	v27 =	vld [tilespmem:s29+$0x0]  }
0xb0: {  	v28 =	vld [tilespmem:s29+$0x10];
	s30 =	spop (v2sf)  }
0xb1: {  	v29 =	vld [tilespmem:s30+$0x0]  }
0xb2: {  	v30 =	vld [tilespmem:s30+$0x10];
	s25 =	spop (v2sf)  }
0xb3: {  	[tilespmem:s23+$0xA0] =	vst v4;
	v31 =	vld [tilespmem:s25+$0x10]  }
0xb4: {  	[tilespmem:s23+$0xE0] =	vst v1;
	v1 =	vld [tilespmem:s25+$0x0];
	s31 =	spop (v2sf)  }
0xb5: {  	[tilespmem:s23+$0xB0] =	vst v3;
	v4 =	vld [tilespmem:s31+$0x0]  }
0xb6: {  	[tilespmem:s23+$0xC0] =	vst v2;
	v3 =	vld [tilespmem:s31+$0x10];
	s29 =	spop (v2sf)  }
0xb7: {  	[tilespmem:s23+$0xD0] =	vst v0;
	s30 =	sadd.s32 $0x200, s23;
	v2 =	vld [tilespmem:s29+$0x0]  }
0xb8: {  	v0 =	vld [tilespmem:s29+$0x10];
	[tilespmem:s30+$0xFFFFFF00] =	vst v5  }
0xb9: {  	[tilespmem:s30+$0xFFFFFF10] =	vst v6  }
0xba: {  	[tilespmem:s30+$0xFFFFFF20] =	vst v7  }
0xbb: {  	[tilespmem:s30+$0xFFFFFF30] =	vst v9  }
0xbc: {  	[tilespmem:s30+$0xFFFFFF40] =	vst v10  }
0xbd: {  	[tilespmem:s30+$0xFFFFFF50] =	vst v11  }
0xbe: {  	[tilespmem:s30+$0xFFFFFF60] =	vst v12  }
0xbf: {  	[tilespmem:s30+$0xFFFFFF70] =	vst v13  }
0xc0: {  	[tilespmem:s30+$0xFFFFFF80] =	vst v14  }
0xc1: {  	[tilespmem:s30+$0xFFFFFF90] =	vst v15  }
0xc2: {  	[tilespmem:s30+$0xFFFFFFA0] =	vst v16  }
0xc3: {  	[tilespmem:s30+$0xFFFFFFB0] =	vst v17  }
0xc4: {  	[tilespmem:s30+$0xFFFFFFC0] =	vst v18  }
0xc5: {  	[tilespmem:s30+$0xFFFFFFD0] =	vst v19  }
0xc6: {  	[tilespmem:s30+$0xFFFFFFE0] =	vst v8  }
0xc7: {  	[tilespmem:s30+$0xFFFFFFF0] =	vst v20  }
0xc8: {  	[tilespmem:s30+$0x0] =	vst v21  }
0xc9: {  	[tilespmem:s30+$0x10] =	vst v22  }
0xca: {  	[tilespmem:s30+$0x20] =	vst v23  }
0xcb: {  	[tilespmem:s30+$0x30] =	vst v24  }
0xcc: {  	[tilespmem:s30+$0x40] =	vst v25  }
0xcd: {  	[tilespmem:s30+$0x50] =	vst v26  }
0xce: {  	[tilespmem:s30+$0x60] =	vst v27  }
0xcf: {  	[tilespmem:s30+$0x70] =	vst v28  }
0xd0: {  	[tilespmem:s30+$0x80] =	vst v29  }
0xd1: {  	[tilespmem:s30+$0x90] =	vst v30  }
0xd2: {  	[tilespmem:s30+$0xF0] =	vst v31  }
0xd3: {  	[tilespmem:s30+$0xE0] =	vst v1  }
0xd4: {  	[tilespmem:s30+$0xA0] =	vst v4  }
0xd5: {  	p1 =	seq.s32 s21, $0x7;
	[tilespmem:s30+$0xB0] =	vst v3  }
0xd6: {  	s23 =	sshrl.u32 @!p1 s24, $0x3;
	s31 =	sshll.u32 s24, $0x2;
	[tilespmem:s30+$0xC0] =	vst v2  }
0xd7: {  	s23 =	sadd.s32 @!p1 s5, s23;
	s26 =	sadd.s32 s2, s31;
	[tilespmem:s30+$0xD0] =	vst v0  }
0xd8: {  	[hbm4b:s26+s3] =	stream.linear.scatter [tilespmem:s15], [sflag:$0x3], $0xC800, $0x38;
	[tilespmem:$0x1BC80] =	vst v63  }
0xd9: {  	s23 =	sadd.s32 @!p1 $0x190, s23;
	s25 =	simm.s32 @!p1 $0x2000;
	s24 =	simm.s32 @!p1 $0x0  }
0xda: {  	[tilespmem:s25], [sflag:$0x1] =	stream.linear.gather @!p1 [hbm4b:s23+s24], $0x640, $0x38;
	[tilespmem:$0x1BC80] =	vst v63  }
0xdb: {  	_ =	swait.ge [sflag:s16], $0x640  }
0xdc: {  	[sflag:s16] =	ssyncset.done $0x0  }
0xdd: {  	s23 =	simm.s32 @!p0 $0x4;
	[sflag:s16] =	ssyncadd.s32 $0xFFFFF9C0  }
0xde: {  	_ =	swait.ge @!p0 [sflag:s23], $0xC800  }
0xdf: {  	[sflag:s23] =	ssyncset.done @!p0 $0x0  }
0xe0: {  	s29 =	simm.s32 $0x2640;
	[sflag:s23] =	ssyncadd.s32 @!p0 $0xFFFF3800  }
0xe1: {  	v0 =	vld [tilespmem:s29+$0x0];
	_ =	sdelay $0x4  }
0xe2: {  	v0 =	vshll.u32 v0, $0x5  }
0xe3: {  	(v2sf) =	vpush v0, $0x0;
	_ =	sdelay $0x1  }
0xe4: {  	(v2sf) =	vpush v0, $0x1;
	_ =	sdelay $0x1  }
0xe5: {  	(v2sf) =	vpush v0, $0x2;
	_ =	sdelay $0x1  }
0xe6: {  	(v2sf) =	vpush v0, $0x3;
	_ =	sdelay $0x1  }
0xe7: {  	(v2sf) =	vpush v0, $0x4;
	_ =	sdelay $0x1  }
0xe8: {  	(v2sf) =	vpush v0, $0x5;
	_ =	sdelay $0x1  }
0xe9: {  	(v2sf) =	vpush v0, $0x6;
	_ =	sdelay $0x1  }
0xea: {  	(v2sf) =	vpush v0, $0x7  }
0xeb: {  	s30 =	spop (v2sf)  }
0xec: {  	(v2sf) =	vpush v0, $0x8;
	v4 =	vld [tilespmem:s30+$0x0]  }
0xed: {  	v5 =	vld [tilespmem:s30+$0x10];
	s31 =	spop (v2sf)  }
0xee: {  	(v2sf) =	vpush v0, $0x9;
	v6 =	vld [tilespmem:s31+$0x0]  }
0xef: {  	v7 =	vld [tilespmem:s31+$0x10];
	s24 =	spop (v2sf)  }
0xf0: {  	v8 =	vld [tilespmem:s24+$0x0]  }
0xf1: {  	(v2sf) =	vpush v0, $0xA;
	v9 =	vld [tilespmem:s24+$0x10];
	s25 =	spop (v2sf)  }
0xf2: {  	v10 =	vld [tilespmem:s25+$0x0]  }
0xf3: {  	(v2sf) =	vpush v0, $0xB;
	v11 =	vld [tilespmem:s25+$0x10];
	s26 =	spop (v2sf)  }
0xf4: {  	v43 =	vld [tilespmem:s26+$0x0]  }
0xf5: {  	(v2sf) =	vpush v0, $0xC;
	v44 =	vld [tilespmem:s26+$0x10];
	s29 =	spop (v2sf)  }
0xf6: {  	v45 =	vld [tilespmem:s29+$0x0]  }
0xf7: {  	(v2sf) =	vpush v0, $0xF;
	v46 =	vld [tilespmem:s29+$0x10];
	s30 =	spop (v2sf)  }
0xf8: {  	v47 =	vld [tilespmem:s30+$0x0]  }
0xf9: {  	(v2sf) =	vpush v0, $0xD;
	v48 =	vld [tilespmem:s30+$0x10];
	s31 =	spop (v2sf)  }
0xfa: {  	v49 =	vld [tilespmem:s31+$0x0]  }
0xfb: {  	(v2sf) =	vpush v0, $0xE;
	v50 =	vld [tilespmem:s31+$0x10];
	s24 =	spop (v2sf)  }
0xfc: {  	v51 =	vld [tilespmem:s24+$0x0]  }
0xfd: {  	v52 =	vld [tilespmem:s24+$0x10];
	s25 =	spop (v2sf)  }
0xfe: {  	v53 =	vld [tilespmem:s25+$0x0]  }
0xff: {  	s24 =	simm.s32 $0x2650;
	v54 =	vld [tilespmem:s25+$0x10]  }
0x100: {  	s26 =	spop (v2sf);
	v63 =	vld [tilespmem:s24+$0x0]  }
0x101: {  	v55 =	vld [tilespmem:s26+$0x0]  }
0x102: {  	v56 =	vld [tilespmem:s26+$0x10];
	s29 =	spop (v2sf)  }
0x103: {  	v57 =	vld [tilespmem:s29+$0x0]  }
0x104: {  	v58 =	vld [tilespmem:s29+$0x10];
	s30 =	spop (v2sf)  }
0x105: {  	v59 =	vld [tilespmem:s30+$0x0]  }
0x106: {  	v60 =	vld [tilespmem:s30+$0x10];
	s31 =	spop (v2sf)  }
0x107: {  	v61 =	vld [tilespmem:s31+$0x10]  }
0x108: {  	s26 =	spop (v2sf);
	v1 =	vld [tilespmem:s31+$0x0]  }
0x109: {  	v62 =	vld [tilespmem:s26+$0x0]  }
0x10a: {  	v3 =	vld [tilespmem:s26+$0x10];
	s29 =	spop (v2sf)  }
0x10b: {  	s25 =	simm.s32 $0x0;
	v2 =	vld [tilespmem:s29+$0x0]  }
0x10c: {  	v0 =	vld [tilespmem:s29+$0x10];
	[tilespmem:s25+$0xF480] =	vst v4  }
0x10d: {  	[tilespmem:s25+$0xF490] =	vst v5  }
0x10e: {  	[tilespmem:s25+$0xF4A0] =	vst v6  }
0x10f: {  	[tilespmem:s25+$0xF4C0] =	vst v8;
	v8 =	vshll.u32 v63, $0x5  }
0x110: {  	[tilespmem:s25+$0xF4B0] =	vst v7;
	(v2sf) =	vpush v8, $0x0  }
0x111: {  	[tilespmem:s25+$0xF4D0] =	vst v9  }
0x112: {  	[tilespmem:s25+$0xF4E0] =	vst v10  }
0x113: {  	[tilespmem:s25+$0xF4F0] =	vst v11  }
0x114: {  	[tilespmem:s25+$0xF500] =	vst v43  }
0x115: {  	[tilespmem:s25+$0xF510] =	vst v44;
	(v2sf) =	vpush v8, $0x1  }
0x116: {  	[tilespmem:s25+$0xF520] =	vst v45  }
0x117: {  	[tilespmem:s25+$0xF530] =	vst v46;
	(v2sf) =	vpush v8, $0x2  }
0x118: {  	[tilespmem:s25+$0xF540] =	vst v47  }
0x119: {  	[tilespmem:s25+$0xF550] =	vst v48;
	(v2sf) =	vpush v8, $0x3  }
0x11a: {  	[tilespmem:s25+$0xF560] =	vst v49  }
0x11b: {  	[tilespmem:s25+$0xF570] =	vst v50;
	(v2sf) =	vpush v8, $0x4  }
0x11c: {  	[tilespmem:s25+$0xF580] =	vst v51  }
0x11d: {  	[tilespmem:s25+$0xF590] =	vst v52;
	(v2sf) =	vpush v8, $0x5  }
0x11e: {  	[tilespmem:s25+$0xF5A0] =	vst v53  }
0x11f: {  	[tilespmem:s25+$0xF5B0] =	vst v54;
	s30 =	spop (v2sf);
	(v2sf) =	vpush v8, $0x6  }
0x120: {  	[tilespmem:s25+$0xF5C0] =	vst v55  }
0x121: {  	[tilespmem:s25+$0xF5D0] =	vst v56;
	(v2sf) =	vpush v8, $0x7  }
0x122: {  	[tilespmem:s25+$0xF5E0] =	vst v57  }
0x123: {  	[tilespmem:s25+$0xF5F0] =	vst v58;
	v4 =	vld [tilespmem:s30+$0x0];
	(v2sf) =	vpush v8, $0x8  }
0x124: {  	[tilespmem:s25+$0xF600] =	vst v59;
	v5 =	vld [tilespmem:s30+$0x10];
	s31 =	spop (v2sf)  }
0x125: {  	[tilespmem:s25+$0xF610] =	vst v60;
	v6 =	vld [tilespmem:s31+$0x0];
	(v2sf) =	vpush v8, $0x9  }
0x126: {  	[tilespmem:s25+$0xF670] =	vst v61;
	v7 =	vld [tilespmem:s31+$0x10];
	s28 =	spop (v2sf)  }
0x127: {  	s22 =	sadd.s32 s22, s7;
	s23 =	simm.s32 $0x800;
	s26 =	simm.s32 $0x1000;
	[tilespmem:s25+$0xF620] =	vst v62;
	v9 =	vld [tilespmem:s28+$0x0];
	(v2sf) =	vpush v8, $0xA  }
.LBB2_5:
0x128: {  	p0 =	sne.s32 s26, $0x31800;
	v10 =	vld [tilespmem:s28+$0x10];
	s28 =	spop (v2sf);
	[tilespmem:s25+$0xF630] =	vst v3  }
0x129: {  	v11 =	vld [tilespmem:s28+$0x0];
	(v2sf) =	vpush v8, $0xB;
	[tilespmem:s25+$0xF640] =	vst v2  }
0x12a: {  	v12 =	vld [tilespmem:s28+$0x10];
	s28 =	spop (v2sf);
	[tilespmem:s25+$0xF650] =	vst v0  }
0x12b: {  	v13 =	vld [tilespmem:s28+$0x0];
	(v2sf) =	vpush v8, $0xC;
	[tilespmem:s25+$0xF660] =	vst v1  }
0x12c: {  	v14 =	vld [tilespmem:s28+$0x10];
	s25 =	spop (v2sf)  }
0x12d: {  	v15 =	vld [tilespmem:s25+$0x0];
	(v2sf) =	vpush v8, $0xF  }
0x12e: {  	v16 =	vld [tilespmem:s25+$0x10];
	s25 =	spop (v2sf);
	(v2sf) =	vpush v8, $0xD  }
0x12f: {  	v17 =	vld [tilespmem:s25+$0x0]  }
0x130: {  	v18 =	vld [tilespmem:s25+$0x10];
	s25 =	spop (v2sf);
	(v2sf) =	vpush v8, $0xE  }
0x131: {  	v19 =	vld [tilespmem:s25+$0x0]  }
0x132: {  	v20 =	vld [tilespmem:s25+$0x10];
	s25 =	spop (v2sf)  }
0x133: {  	v21 =	vld [tilespmem:s25+$0x0]  }
0x134: {  	v22 =	vld [tilespmem:s25+$0x10];
	s25 =	spop (v2sf)  }
0x135: {  	v23 =	vld [tilespmem:s25+$0x0]  }
0x136: {  	v24 =	vld [tilespmem:s25+$0x10];
	s25 =	spop (v2sf)  }
0x137: {  	v25 =	vld [tilespmem:s25+$0x0]  }
0x138: {  	v26 =	vld [tilespmem:s25+$0x10];
	s25 =	spop (v2sf)  }
0x139: {  	v27 =	vld [tilespmem:s25+$0x0]  }
0x13a: {  	v28 =	vld [tilespmem:s25+$0x10];
	s25 =	spop (v2sf)  }
0x13b: {  	v29 =	vld [tilespmem:s25+$0x0]  }
0x13c: {  	v30 =	vld [tilespmem:s25+$0x10];
	s28 =	spop (v2sf)  }
0x13d: {  	v8 =	vld [tilespmem:s28+$0x10];
	s25 =	spop (v2sf)  }
0x13e: {  	v31 =	vld [tilespmem:s25+$0x0]  }
0x13f: {  	v3 =	vld [tilespmem:s25+$0x10];
	s25 =	spop (v2sf)  }
0x140: {  	v2 =	vld [tilespmem:s25+$0x0]  }
0x141: {  	v0 =	vld [tilespmem:s25+$0x10];
	s25 =	sshra.s32 s23, $0x2;
	s23 =	smov.u32 s26  }
0x142: {  	s24 =	sadd.s32 $0x10, s24;
	v1 =	vld [tilespmem:s28+$0x0];
	[tilespmem:s25+$0xF670] =	vst v8  }
0x143: {  	v8 =	vld [tilespmem:s24+$0x0];
	[tilespmem:s25+$0xF480] =	vst v4  }
0x144: {  	[tilespmem:s25+$0xF490] =	vst v5  }
0x145: {  	[tilespmem:s25+$0xF4A0] =	vst v6  }
0x146: {  	[tilespmem:s25+$0xF4B0] =	vst v7  }
0x147: {  	[tilespmem:s25+$0xF4C0] =	vst v9  }
0x148: {  	v8 =	vshll.u32 v8, $0x5;
	[tilespmem:s25+$0xF4D0] =	vst v10  }
0x149: {  	(v2sf) =	vpush v8, $0x0;
	[tilespmem:s25+$0xF4E0] =	vst v11  }
0x14a: {  	[tilespmem:s25+$0xF4F0] =	vst v12  }
0x14b: {  	(v2sf) =	vpush v8, $0x1;
	[tilespmem:s25+$0xF500] =	vst v13  }
0x14c: {  	[tilespmem:s25+$0xF510] =	vst v14  }
0x14d: {  	(v2sf) =	vpush v8, $0x2;
	[tilespmem:s25+$0xF520] =	vst v15  }
0x14e: {  	[tilespmem:s25+$0xF530] =	vst v16  }
0x14f: {  	(v2sf) =	vpush v8, $0x3;
	[tilespmem:s25+$0xF540] =	vst v17  }
0x150: {  	[tilespmem:s25+$0xF550] =	vst v18  }
0x151: {  	(v2sf) =	vpush v8, $0x4;
	[tilespmem:s25+$0xF560] =	vst v19  }
0x152: {  	[tilespmem:s25+$0xF570] =	vst v20  }
0x153: {  	(v2sf) =	vpush v8, $0x5;
	[tilespmem:s25+$0xF580] =	vst v21  }
0x154: {  	[tilespmem:s25+$0xF590] =	vst v22  }
0x155: {  	(v2sf) =	vpush v8, $0x6;
	[tilespmem:s25+$0xF5A0] =	vst v23  }
0x156: {  	[tilespmem:s25+$0xF5B0] =	vst v24  }
0x157: {  	(v2sf) =	vpush v8, $0x7;
	[tilespmem:s25+$0xF5C0] =	vst v25  }
0x158: {  	s28 =	spop (v2sf);
	[tilespmem:s25+$0xF5D0] =	vst v26  }
.Ltmp3:
0x159: {  	v4 =	vld [tilespmem:s28+$0x0];
	(v2sf) =	vpush v8, $0x8;
	[tilespmem:s25+$0xF5E0] =	vst v27;
	(pc) =	sbr.rel @p0 .LBB2_5-.Ltmp3, $4  }
0x15a: {  	v5 =	vld [tilespmem:s28+$0x10];
	s28 =	spop (v2sf);
	[tilespmem:s25+$0xF5F0] =	vst v28  }
0x15b: {  	v6 =	vld [tilespmem:s28+$0x0];
	(v2sf) =	vpush v8, $0x9;
	[tilespmem:s25+$0xF600] =	vst v29  }
0x15c: {  	v7 =	vld [tilespmem:s28+$0x10];
	s28 =	spop (v2sf);
	[tilespmem:s25+$0xF610] =	vst v30  }
0x15d: {  	s26 =	sadd.s32 $0x800, s26;
	v9 =	vld [tilespmem:s28+$0x0];
	(v2sf) =	vpush v8, $0xA;
	[tilespmem:s25+$0xF620] =	vst v31  }
0x15e: {  	v10 =	vld [tilespmem:s28+$0x10];
	s24 =	spop (v2sf)  }
0x15f: {  	(v2sf) =	vpush v8, $0xB;
	v11 =	vld [tilespmem:s24+$0x0]  }
0x160: {  	v12 =	vld [tilespmem:s24+$0x10];
	s29 =	spop (v2sf)  }
0x161: {  	(v2sf) =	vpush v8, $0xC;
	v13 =	vld [tilespmem:s29+$0x0]  }
0x162: {  	v14 =	vld [tilespmem:s29+$0x10];
	s30 =	spop (v2sf)  }
0x163: {  	(v2sf) =	vpush v8, $0xF;
	v15 =	vld [tilespmem:s30+$0x0]  }
0x164: {  	v16 =	vld [tilespmem:s30+$0x10];
	s31 =	spop (v2sf)  }
0x165: {  	(v2sf) =	vpush v8, $0xD;
	v17 =	vld [tilespmem:s31+$0x0]  }
0x166: {  	v18 =	vld [tilespmem:s31+$0x10];
	s26 =	spop (v2sf)  }
0x167: {  	(v2sf) =	vpush v8, $0xE;
	v60 =	vld [tilespmem:s26+$0x0]  }
0x168: {  	v19 =	vld [tilespmem:s26+$0x10];
	s28 =	spop (v2sf)  }
0x169: {  	v20 =	vld [tilespmem:s28+$0x0]  }
0x16a: {  	v21 =	vld [tilespmem:s28+$0x10];
	s29 =	spop (v2sf)  }
0x16b: {  	v22 =	vld [tilespmem:s29+$0x0]  }
0x16c: {  	v23 =	vld [tilespmem:s29+$0x10];
	s30 =	spop (v2sf)  }
0x16d: {  	v24 =	vld [tilespmem:s30+$0x0]  }
0x16e: {  	v25 =	vld [tilespmem:s30+$0x10];
	s31 =	spop (v2sf)  }
0x16f: {  	v26 =	vld [tilespmem:s31+$0x0]  }
0x170: {  	v27 =	vld [tilespmem:s31+$0x10];
	s26 =	spop (v2sf)  }
0x171: {  	v28 =	vld [tilespmem:s26+$0x0]  }
0x172: {  	v29 =	vld [tilespmem:s26+$0x10];
	s28 =	spop (v2sf)  }
0x173: {  	v30 =	vld [tilespmem:s28+$0x10]  }
0x174: {  	[tilespmem:s25+$0xF630] =	vst v3;
	v63 =	vld [tilespmem:s28+$0x0];
	s26 =	spop (v2sf)  }
0x175: {  	[tilespmem:s25+$0xF640] =	vst v2;
	v31 =	vld [tilespmem:s26+$0x0]  }
0x176: {  	[tilespmem:s25+$0xF650] =	vst v0;
	v61 =	vld [tilespmem:s26+$0x10];
	s29 =	spop (v2sf)  }
0x177: {  	[tilespmem:s25+$0xF660] =	vst v1;
	s23 =	sshra.s32 s23, $0x2;
	v62 =	vld [tilespmem:s29+$0x0]  }
0x178: {  	v32 =	vld [tilespmem:s29+$0x10];
	[tilespmem:s23+$0xF480] =	vst v4  }
0x179: {  	[tilespmem:s23+$0xF490] =	vst v5  }
0x17a: {  	[tilespmem:s23+$0xF4A0] =	vst v6  }
0x17b: {  	[tilespmem:s23+$0xF4B0] =	vst v7  }
0x17c: {  	[tilespmem:s23+$0xF4C0] =	vst v9  }
0x17d: {  	[tilespmem:s23+$0xF4D0] =	vst v10  }
0x17e: {  	[tilespmem:s23+$0xF4E0] =	vst v11  }
0x17f: {  	[tilespmem:s23+$0xF4F0] =	vst v12  }
0x180: {  	[tilespmem:s23+$0xF500] =	vst v13  }
0x181: {  	[tilespmem:s23+$0xF510] =	vst v14  }
0x182: {  	[tilespmem:s23+$0xF520] =	vst v15  }
0x183: {  	[tilespmem:s23+$0xF530] =	vst v16  }
0x184: {  	[tilespmem:s23+$0xF540] =	vst v17  }
0x185: {  	[tilespmem:s23+$0xF550] =	vst v18  }
0x186: {  	[tilespmem:s23+$0xF560] =	vst v60  }
0x187: {  	[tilespmem:s23+$0xF570] =	vst v19  }
0x188: {  	[tilespmem:s23+$0xF580] =	vst v20  }
0x189: {  	[tilespmem:s23+$0xF590] =	vst v21  }
0x18a: {  	[tilespmem:s23+$0xF5A0] =	vst v22  }
0x18b: {  	[tilespmem:s23+$0xF5B0] =	vst v23  }
0x18c: {  	[tilespmem:s23+$0xF5C0] =	vst v24  }
0x18d: {  	[tilespmem:s23+$0xF5D0] =	vst v25  }
0x18e: {  	[tilespmem:s23+$0xF5E0] =	vst v26  }
0x18f: {  	[tilespmem:s23+$0xF5F0] =	vst v27  }
0x190: {  	[tilespmem:s23+$0xF600] =	vst v28  }
0x191: {  	[tilespmem:s23+$0xF610] =	vst v29  }
0x192: {  	[tilespmem:s23+$0xF670] =	vst v30  }
0x193: {  	[tilespmem:s23+$0xF660] =	vst v63  }
.Ltmp4:
0x194: {  	[tilespmem:s23+$0xF620] =	vst v31;
	(pc) =	sbr.rel @p1 .LBB2_8-.Ltmp4, $4  }
0x195: {  	s30 =	sshll.u32 s22, $0x2;
	[tilespmem:s23+$0xF630] =	vst v61  }
0x196: {  	s24 =	sand.u32 $0x1FFFFF00, s30;
	[tilespmem:s23+$0xF640] =	vst v62  }
0x197: {  	s31 =	sadd.s32 s2, s24;
	[tilespmem:s23+$0xF650] =	vst v32  }
0x198: {  	[hbm4b:s31+s3] =	stream.linear.scatter [tilespmem:s17], [sflag:$0x4], $0xC800, $0x38;
	[tilespmem:$0x1BC80] =	vst v63  }
.Ltmp5:
0x199: {  	(pc) =	sbr.rel .LBB2_2-.Ltmp5, $4  }
0x19a: {  	s22 =	sshrl.u32 s22, $0x3  }
0x19b: {  	s22 =	sadd.s32 s5, s22  }
0x19c: {  	s21 =	sadd.s32 $0x1, s21;
	s22 =	sadd.s32 $0x190, s22  }
0x19d: {  	[tilespmem:s13], [sflag:$0x2] =	stream.linear.gather [hbm4b:s22+s3], $0x640, $0x38;
	[tilespmem:$0x1BC80] =	vst v63  }
.LBB2_9:
0x19e: {  	_ =	sfence.sel $0x180000  }
0x19f: {  	[bflag:$0x0] =	sbarrier.arrive $0xFFFF  }
0x1a0: {  	p0 =	sne.s32 s1, $0x0;
	_ =	strace $0x90000047  }
0x1a1: {  	s0 =	sadd.s32 @!p0 $0x100000, s0;
	[bflag:$0x2] =	sbarrier.arrive $0xFFFF  }
0x1a2: {  	[sflag:s0] =	ssyncadd.tile.s32 @!p0 $0x1;
	_ =	shalt  }
.Lfunc_end2:
_tile_overlayer_lowered:
.L_overlay_start_2:
0x1a3: {  	(tag) =	ssettag $0x2  }
0x1a4: {  	s0 =	rddreg [dreg:$0x0];
	s2 =	stileid.u32  }
0x1a5: {  	s1 =	rddreg [dreg:$0x1];
	p0 =	sne.s32 s2, $0x0  }
0x1a6: {  	s3 =	rddreg [dreg:$0x2];
	[bflag:$0x3] =	sbarrier.arrive $0xFFFF;
	s2 =	simm.s32 @!p0 $0x1C05  }
0x1a7: {  	[timem:s3], [sflag:s2] =	dma.local @!p0 [hbm:s0], s1  }
0x1a8: {  	s0 =	simm.s32 @!p0 $0x5  }
0x1a9: {  	_ =	swait.ge @!p0 [sflag:s0], s1  }
0x1aa: {  	s1 =	ssub.s32 @!p0 $0x0, s1;
	[sflag:s0] =	ssyncset.done @!p0 $0x0  }
0x1ab: {  	[sflag:s0] =	ssyncadd.s32 @!p0 s1  }
0x1ac: {  	[bflag:$0x3] =	sbarrier.arrive $0xFFFF  }
0x1ad: {  	_ =	shalt  }

// kernel: sparse-core-data-format-call.cloned.1.call-start
scs
called_computation_lowered:
.L_overlay_start_0:
0x0: {  	s2 =	sld [smem:$0x3FD9]  }
0x1: {  	s3 =	sld [smem:$0x3FFE];
	_ =	sdelay $0x1  }
0x2: {  	s1 =	srdreg.scid  }
0x3: {  	s0 =	sand.u32 $0x1, s1  }
0x4: {  	s18 =	sshll.u32 s0, $0xA;
	s2 =	sadd.s32 s3, s2  }
0x5: {  	s2 =	sadd.s32 s2, s18  }
0x6: {  	[smem:$0x3FC6] =	sst s2  }
0x7: {  	_ = 	snop  }
0x8: {  	s2 =	sld [smem:$0x3FD0];
	(tm) =	ssettm $0x1  }
0x9: {  	s19 =	sld [smem:$0x3FFB];
	_ =	sdelay $0x3  }
0xa: {  	_ =	strace s19  }
0xb: {  	s3 =	sld [smem:$0x3FFC];
	_ =	sdelay $0x3  }
0xc: {  	_ =	strace s3  }
0xd: {  	s3 =	sld [smem:$0x3FFD];
	_ =	sdelay $0x3  }
0xe: {  	_ =	strace s3  }
0xf: {  	_ =	strace $0x8FFFFFFF  }
0x10: {  	s20 =	sld [smem:$0x3FDB];
	_ =	sdelay $0x1  }
0x11: {  	s4 =	simm.s32 $_scs_section_size  }
0x12: {  	s5 =	simm.s32 $_size__tile_overlayer_lowered;
	s6 =	simm.s32 $_tile_overlayer_lowered  }
0x13: {  	s23 =	simm.s32 $0x1BFF;
	s22 =	sshll.u32 s6, $0x1;
	s3 =	sadd.s32 s4, s20  }
0x14: {  	s7 =	simm.s32 $0x0;
	s21 =	sshll.u32 s5, $0x1;
	s5 =	sadd.s32 s22, s3  }
0x15: {  	[timem:s7], [sflag:s23] =	dma.local [hbm:s5], s21  }
0x16: {  	_ =	swait.ge [sflag:s23], s21  }
0x17: {  	s4 =	ssub.s32 $0x0, s21;
	[sflag:s23] =	ssyncset.done $0x0  }
0x18: {  	[sflag:s23] =	ssyncadd.s32 s4;
	_ =	sdelay $0x1  }
0x19: {  	s24 =	simm.s32 $0x1B8B  }
0x1a: {  	_ =	swait.ge [sflag:s24], $0x1  }
0x1b: {  	[sflag:s24] =	ssyncset.done $0x0  }
0x1c: {  	s26 =	simm.s32 $0x1B8E;
	s25 =	sld [smem:$0x3FFE];
	[sflag:s24] =	ssyncadd.s32 $0xFFFFFFFF  }
0x1d: {  	s27 =	simm.s32 $execute0_lowered;
	[smem:$0x3FD2] =	sst s26  }
0x1e: {  	s5 =	sshll.u32 s27, $0x1;
	_ =	strace $0x80000049;
	[dreg:$0x1] =	wrdreg $0xFFFFFFFF  }
0x1f: {  	s28 =	simm.s32 $_size_execute0_lowered;
	s3 =	sadd.s32 s3, s5;
	[dreg:$0x0] =	wrdreg $0x0  }
0x20: {  	s5 =	sshll.u32 s28, $0x1;
	[dreg:$0x2] =	wrdreg s3  }
0x21: {  	[dreg:$0x3] =	wrdreg s5  }
0x22: {  	[dreg:$0x4] =	wrdreg $0xC0  }
0x23: {  	_ =	task [dreg:s7], $0x5FFFF  }
0x24: {  	[dreg:$0x1] =	wrdreg $0xFFFFFFFF  }
0x25: {  	[dreg:$0x0] =	wrdreg $0x60  }
0x26: {  	[dreg:$0x2] =	wrdreg s25  }
0x27: {  	[dreg:$0x3] =	wrdreg s2  }
0x28: {  	[dreg:$0x4] =	wrdreg $0x9  }
0x29: {  	_ =	task.clear_ibuf [dreg:s7], $0x5FFFF;
	_ =	strace $0x90000049  }
0x2a: {  	s29 =	simm.s32 $0x9;
	_ =	strace $0x8000004B  }
0x2b: {  	_ =	swait.ge [sflag:s29], $0x1  }
0x2c: {  	[sflag:s29] =	ssyncadd.s32 $0xFFFFFFFF  }
0x2d: {  	_ =	strace $0x9000004B  }
0x2e: {  	_ =	sfence  }
0x2f: {  	s30 =	sld [smem:$0x0];
	_ =	sdelay $0x2  }
0x30: {  	s31 =	sshll.u32 s1, $0xD;
	s1 =	sshrl.u32 s1, $0x2  }
0x31: {  	s3 =	sand.u32 $0x4000, s31;
	s1 =	sadd.s32 s1, s30  }
0x32: {  	s0 =	sor.u32 s3, s0;
	s1 =	sshll.u32 s1, $0x11  }
0x33: {  	s0 =	sor.u32 s1, s0  }
0x34: {  	s0 =	sadd.s32 $0x8F2B, s0  }
0x35: {  	[sflag:s0] =	ssyncadd.remote.s32 $0x1  }
0x36: {  	_ =	sfence.sel $0xFFFF  }
0x37: {  	[dreg:$0x0] =	wrdreg $0xFFFFFFFF;
	(pc) =	sbr.abs _section_cstart, $3  }
0x38: {  	[dreg:$0x1] =	wrdreg $0xFFFFFFFF  }
0x39: {  	_ =	task.clear_ibuf [dreg:s7], $0x2FFFF;
	_ =	strace $0x9FFFFFFF  }
0x3a: {  	(tm) =	ssettm $0x7FFFFFFF  }
0x3b: {  	_ =	shalt  }
tec
execute0_lowered:
.L_overlay_start_1:
0x0: {  	(tag) =	ssettag $0x1  }
0x1: {  	s0 =	srdreg.scid  }
0x2: {  	s1 =	sshll.u32 s0, $0x4  }
0x3: {  	s0 =	stileid.u32;
	s1 =	sand.u32 $0x10, s1  }
0x4: {  	s1 =	sor.u32 s0, s1  }
0x5: {  	s6 =	rddreg [dreg:$0x0];
	s4 =	simm.s32 $0x1;
	s2 =	sshll.u32 s1, $0x7  }
0x6: {  	s7 =	simm.s32 $0x2;
	s12 =	simm.s32 $0x0;
	s1 =	ssub.s32 $0x1000, s2  }
0x7: {  	s8 =	simm.s32 $0x8000;
	s13 =	simm.s32 $0x0;
	s3 =	sand.u32 $0xF80, s1  }
0x8: {  	s9 =	simm.s32 $0x0;
	s5 =	sshrl.u32 s1, $0xC;
	p0 =	sne.s32 s3, $0x0  }
.Ltmp0:
0x9: {  	s1 =	rddreg [dreg:$0x2];
	s4 =	simm.s32 @!p0 $0x0;
	(pc) =	sbr.rel .LBB1_1-.Ltmp0, $4  }
0xa: {  	s11 =	simm.s32 $0x0;
	s3 =	rddreg [dreg:$0x1];
	s5 =	sadd.s32 s4, s5  }
0xb: {  	_ =	strace $0x8000004A;
	s4 =	simm.s32 $0x1;
	s5 =	smul.u32 $0xC8, s5  }
0xc: {  	s6 =	sadd.s32 $0x800, s6;
	s10 =	smov.u32 s2;
	[sflag:s4] =	ssyncpa.u1 $0x0  }
0xd: {  	p0 =	por $0x0, $0x0;
	[sflag:s7] =	ssyncpa.u1 $0x0;
	s7 =	sor.u32 $0x1, s5  }
.LBB1_4:
0xe: {  	s16 =	sshll.u32 s13, $0x3;
	s17 =	sand.u32 $0x78, s13  }
0xf: {  	s30 =	sand.u32 $0x3E00, s13;
	s12 =	sshll.u32 s12, $0xE;
	s16 =	sand.u32 $0xC00, s16  }
0x10: {  	s31 =	sand.u32 $0x7, s13;
	s16 =	sor.u32 s17, s16;
	s17 =	sadd.s32 s3, s30  }
0x11: {  	s13 =	sshll.u32 s31, $0x12;
	s16 =	sshrl.u32 s16, $0x3;
	s12 =	sadd.s32 s12, s17  }
0x12: {  	[tilespmem:s15+$0x0 ss:$0x81] =	vst.msk $0xffff, v0;
	s13 =	sor.u32 $0x400, s13;
	s12 =	sadd.s32 s16, s12  }
0x13: {  	[hbm4b:s12+s13] =	stream.strided.scatter [tilespmem:s14], [sflag:$0x2], $0x1000, s8, s13, $0x20;
	[tilespmem:$0x4040] =	vst v63  }
.LBB1_5:
0x14: {  	s14 =	sadd.s32 $0x1, s9  }
0x15: {  	s12 =	sadd.s32 $0x1000, s10;
	s16 =	smov.u32 s10;
	p2 =	sgt.s32 s14, $0xC7  }
0x16: {  	s16 =	smov.u32 @p2 s12  }
0x17: {  	s14 =	simm.s32 @p2 $0x0;
	p2 =	sgt.s32 s16, $0xFFF  }
0x18: {  	s16 =	smov.u32 @p2 s2;
	p2 =	sne.s32 s11, s7  }
.Ltmp1:
0x19: {  	p1 =	slt.u32 s11, $0x2;
	(pc) =	sbr.rel @!p2 .LBB1_6-.Ltmp1, $4  }
0x1a: {  	s15 =	simm.s32 @!p1 $0x2  }
0x1b: {  	s13 =	smov.u32 s10;
	p0 =	por !p0, !p0;
	_ =	swait.ge @!p1 [sflag:s15], $0x1000  }
0x1c: {  	s12 =	smov.u32 s9;
	[sflag:s15] =	ssyncset.done @!p1 $0x0;
	s9 =	smov.u32 s14  }
0x1d: {  	s11 =	sadd.s32 $0x1, s11;
	[sflag:s15] =	ssyncadd.s32 @!p1 $0xFFFFF000;
	s10 =	smov.u32 s16  }
.LBB1_1:
0x1e: {  	p1 =	sge.u32 s11, s5  }
0x1f: {  	s14 =	sand.u32 @!p1 $0x1FFFFFF, s9  }
0x20: {  	s15 =	smulhi.u32 @!p1 $0x147AE15, s14;
	_ =	sdelay $0x1  }
0x21: {  	s15 =	smul.u32 @!p1 $0xC8, s15  }
0x22: {  	s16 =	sxor.u32 @!p1 $0xFFFFFFFF, s11;
	s17 =	smul.u32 @!p1 $0xC80, s10  }
0x23: {  	s31 =	sadd.s32 $0xFFFFFFFF, s11;
	s16 =	sshll.u32 @!p1 s16, $0xC;
	s14 =	ssub.s32 @!p1 s14, s15  }
0x24: {  	s15 =	sand.u32 @!p1 $0x1000, s16;
	s16 =	sadd.s32 @!p1 s6, s17;
	s14 =	sshll.u32 @!p1 s14, $0x4  }
0x25: {  	s17 =	simm.s32 @!p1 $0x6400;
	s14 =	sadd.s32 @!p1 s14, s16;
	s16 =	simm.s32 @!p1 $0x20  }
0x26: {  	[tilespmem:s15], [sflag:$0x1] =	stream.strided.gather @!p1 [hbm4b:s14+s16], $0x1000, s17, s16, $0x38;
	[tilespmem:$0x4040] =	vst v63  }
0x27: {  	p1 =	sge.u32 s31, s5  }
.Ltmp2:
0x28: {  	_ = 	snop;
	(pc) =	sbr.rel @p1 .LBB1_5-.Ltmp2, $1  }
0x29: {  	_ =	sdelay $0x3  }
0x2a: {  	s14 =	simm.s32 $0x1  }
0x2b: {  	_ =	swait.ge [sflag:s4], $0x1000;
	s14 =	simm.s32 @!p0 $0x0  }
0x2c: {  	[sflag:s4] =	ssyncset.done $0x0;
	s15 =	sshll.u32 s14, $0xC  }
0x2d: {  	[sflag:s4] =	ssyncadd.s32 $0xFFFFF000;
	s18 =	sor.u32 $0x10, s15  }
0x2e: {  	s14 =	smul.u32 $0x4080, s14;
	v1 =	vld [tilespmem:s18+$0x0]  }
0x2f: {  	s30 =	sand.u32 $0x1, s11;
	v0 =	vld [tilespmem:s18+$0xFFFFFFF0]  }
0x30: {  	s15 =	smul.u32 $0x4080, s30;
	s14 =	sshrl.u32 s14, $0x2  }
0x31: {  	s16 =	sor.u32 $0x2000, s14  }
0x32: {  	s31 =	sshrl.u32 s15, $0x2;
	s15 =	sadd.s32 $0x0, s16  }
0x33: {  	s17 =	simm.s32 $0x4;
	s18 =	sadd.s32 $0x20, s18;
	s14 =	sor.u32 $0x2000, s31;
	[tilespmem:s15+$0x810 ss:$0x81] =	vst.msk $0xffff, v1  }
.LBB1_3:
0x34: {  	v1 =	vld [tilespmem:s18+$0x0];
	p1 =	sne.s32 s17, $0x1FC;
	[tilespmem:s15+$0x0 ss:$0x81] =	vst.msk $0xffff, v0;
	s15 =	smov.u32 s17;
	s17 =	sadd.s32 $0x4, s17  }
.Ltmp3:
0x35: {  	v0 =	vld [tilespmem:s18+$0xFFFFFFF0];
	(pc) =	sbr.rel @p1 .LBB1_3-.Ltmp3, $4  }
0x36: {  	_ = 	snop  }
0x37: {  	s15 =	sshra.s32 s15, $0x2  }
0x38: {  	s15 =	sadd.s32 s15, s16  }
0x39: {  	s18 =	sadd.s32 $0x20, s18;
	[tilespmem:s15+$0x810 ss:$0x81] =	vst.msk $0xffff, v1  }
.Ltmp4:
0x3a: {  	_ = 	snop;
	(pc) =	sbr.rel .LBB1_4-.Ltmp4, $1  }
0x3b: {  	_ =	sdelay $0x3  }
.LBB1_6:
0x3c: {  	_ =	sfence.sel $0x180000  }
0x3d: {  	s2 =	simm.s32 $0x1;
	[bflag:$0x0] =	sbarrier.arrive $0xFFFF  }
0x3e: {  	s31 =	simm.s32 $0x2;
	[sflag:s2] =	ssyncpa.u1 $0x1  }
0x3f: {  	[sflag:s31] =	ssyncpa.u1 $0x1  }
0x40: {  	p0 =	sne.s32 s0, $0x0;
	_ =	strace $0x9000004A  }
0x41: {  	s0 =	sadd.s32 @!p0 $0x100000, s1;
	[bflag:$0x2] =	sbarrier.arrive $0xFFFF  }
0x42: {  	[sflag:s0] =	ssyncadd.tile.s32 @!p0 $0x1;
	_ =	shalt  }
.Lfunc_end1:
_tile_overlayer_lowered:
.L_overlay_start_2:
0x43: {  	(tag) =	ssettag $0x2  }
0x44: {  	s0 =	rddreg [dreg:$0x0];
	s2 =	stileid.u32  }
0x45: {  	s1 =	rddreg [dreg:$0x1];
	p0 =	sne.s32 s2, $0x0  }
0x46: {  	s3 =	rddreg [dreg:$0x2];
	[bflag:$0x3] =	sbarrier.arrive $0xFFFF;
	s2 =	simm.s32 @!p0 $0x1C01  }
0x47: {  	[timem:s3], [sflag:s2] =	dma.local @!p0 [hbm:s0], s1  }
0x48: {  	s0 =	simm.s32 @!p0 $0x1  }
0x49: {  	_ =	swait.ge @!p0 [sflag:s0], s1  }
0x4a: {  	s1 =	ssub.s32 @!p0 $0x0, s1;
	[sflag:s0] =	ssyncset.done @!p0 $0x0  }
0x4b: {  	[sflag:s0] =	ssyncadd.s32 @!p0 s1  }
0x4c: {  	[bflag:$0x3] =	sbarrier.arrive $0xFFFF  }
0x4d: {  	_ =	shalt  }

</sc_bundles>
